<compile_context>
chip_gen: v7x
topology: tpu7x:2x2x1
jax: 0.10.2.dev20260603
libtpu: 0.0.44.dev20260713+nightly
codegen_flags: <defaults>
</compile_context>

<pallas_src>
import functools

import jax
import jax.numpy as jnp
from jax import lax
from jax.experimental import pallas as pl
from jax.experimental.pallas import tpu as pltpu
from jax.experimental.pallas import tpu_sc as plsc

N = 10000
E = 160000
D_IN = 256
H1 = 512
H2 = 256

LANE = 128
NS = 16
NC = 2
EPT = E // NS
G = 312
NG = EPT // G
GT = EPT - NG * G
GA = 112
NFULL = EPT // GA
AT = EPT - NFULL * GA
NP = 10112
RPT = NP // NS

_mesh = lambda: plsc.VectorSubcoreMesh(
    core_axis_name="c", subcore_axis_name="s", num_cores=NC, num_subcores=NS)


def _sc_degree(eidx_flat, ones128, zeros128):
    def body(eidx_hbm, ones_hbm, zeros_hbm, deg_hbm, idx_v, ones_v, dsem, acc):
        ci = lax.axis_index("c")
        s = lax.axis_index("s")
        pltpu.sync_copy(eidx_hbm.at[pl.ds(ci * E + s * EPT, EPT)], idx_v)
        pltpu.sync_copy(ones_hbm, ones_v)
        pltpu.sync_copy(zeros_hbm.at[pl.ds(s * RPT, RPT)],
                        acc.at[pl.ds(s * RPT, RPT)])
        plsc.subcore_barrier()

        W = 8

        def grp(g, carry):
            pltpu.async_copy(ones_v, acc.at[idx_v.at[pl.ds(g * G, G)]], dsem,
                             add=True)

            @pl.when(g >= W)
            def _():
                pltpu.make_async_copy(
                    ones_v, acc.at[idx_v.at[pl.ds((g - W) * G, G)]], dsem
                ).wait()

            return carry

        lax.fori_loop(0, NG, grp, 0)
        pltpu.async_copy(ones_v.at[pl.ds(0, GT)],
                         acc.at[idx_v.at[pl.ds(NG * G, GT)]], dsem, add=True)

        def drain(g, carry):
            pltpu.make_async_copy(
                ones_v, acc.at[idx_v.at[pl.ds(g * G, G)]], dsem).wait()
            return carry

        lax.fori_loop(NG - W, NG, drain, 0)
        pltpu.make_async_copy(ones_v.at[pl.ds(0, GT)],
                              acc.at[idx_v.at[pl.ds(NG * G, GT)]], dsem).wait()
        plsc.subcore_barrier()
        pltpu.sync_copy(acc.at[pl.ds(s * RPT, RPT)],
                        deg_hbm.at[ci, pl.ds(s * RPT, RPT)])

    return pl.kernel(
        body,
        out_type=jax.ShapeDtypeStruct((NC, NP, LANE), jnp.float32),
        mesh=_mesh(),
        scratch_types=[
            pltpu.VMEM((EPT,), jnp.int32),
            pltpu.VMEM((G, LANE), jnp.float32),
            pltpu.SemaphoreType.DMA,
            pltpu.VMEM_SHARED((NP, LANE), jnp.float32),
        ],
    )(eidx_flat, ones128, zeros128)


def _sc_aggregate(hc_flat, src, dst, zeros128, n_chunks):
    cpc = n_chunks // NC

    def real_body(hc_hbm, src_hbm, dst_hbm, zeros_hbm, agg_hbm,
                  src_v, dst_v, rows2, gsem, ssem, acc):
        ci = lax.axis_index("c")
        s = lax.axis_index("s")
        pltpu.sync_copy(src_hbm.at[pl.ds(s * EPT, EPT)], src_v)
        pltpu.sync_copy(dst_hbm.at[pl.ds(s * EPT, EPT)], dst_v)
        for lc in range(cpc):
            cglob = ci * cpc + lc
            delta = ci * cpc * N if lc == 0 else N

            def off(i, carry):
                src_v[pl.ds(i * 16, 16)] = src_v[pl.ds(i * 16, 16)] + delta
                return carry

            lax.fori_loop(0, EPT // 16, off, 0)
            pltpu.sync_copy(zeros_hbm.at[pl.ds(s * RPT, RPT)],
                            acc.at[pl.ds(s * RPT, RPT)])
            plsc.subcore_barrier()

            pltpu.async_copy(hc_hbm.at[src_v.at[pl.ds(0, GA)]],
                             rows2.at[0], gsem)

            def grp(g, carry):
                b = lax.rem(g, 2)
                pltpu.make_async_copy(hc_hbm.at[src_v.at[pl.ds(g * GA, GA)]],
                                      rows2.at[b], gsem).wait()
                pltpu.async_copy(rows2.at[b],
                                 acc.at[dst_v.at[pl.ds(g * GA, GA)]], ssem,
                                 add=True)

                @pl.when(g >= 1)
                def _():
                    pltpu.make_async_copy(
                        rows2.at[1 - b],
                        acc.at[dst_v.at[pl.ds((g - 1) * GA, GA)]], ssem).wait()

                @pl.when(g + 1 < NFULL)
                def _():
                    pltpu.async_copy(
                        hc_hbm.at[src_v.at[pl.ds((g + 1) * GA, GA)]],
                        rows2.at[1 - b], gsem)

                return carry

            lax.fori_loop(0, NFULL, grp, 0)
            pltpu.make_async_copy(
                rows2.at[(NFULL - 1) % 2],
                acc.at[dst_v.at[pl.ds((NFULL - 1) * GA, GA)]], ssem).wait()
            pltpu.sync_copy(hc_hbm.at[src_v.at[pl.ds(NFULL * GA, AT)]],
                            rows2.at[0, pl.ds(0, AT)])
            pltpu.sync_copy(rows2.at[0, pl.ds(0, AT)],
                            acc.at[dst_v.at[pl.ds(NFULL * GA, AT)]], add=True)
            plsc.subcore_barrier()
            pltpu.sync_copy(acc.at[pl.ds(s * RPT, RPT)],
                            agg_hbm.at[cglob, pl.ds(s * RPT, RPT)])
            plsc.subcore_barrier()

    return pl.kernel(
        real_body,
        out_type=jax.ShapeDtypeStruct((n_chunks, NP, LANE), jnp.float32),
        mesh=_mesh(),
        scratch_types=[
            pltpu.VMEM((EPT,), jnp.int32),
            pltpu.VMEM((EPT,), jnp.int32),
            pltpu.VMEM((2, GA, LANE), jnp.float32),
            pltpu.SemaphoreType.DMA,
            pltpu.SemaphoreType.DMA,
            pltpu.VMEM_SHARED((NP, LANE), jnp.float32),
        ],
    )(hc_flat, src, dst, zeros128)


BN = 400


def _tc_matmul1(x, W1):
    c1 = H1 // LANE

    def body(x_ref, w_ref, out_ref):
        out_ref[...] = jnp.dot(x_ref[...], w_ref[...],
                               preferred_element_type=jnp.float32)[None]

    return pl.pallas_call(
        body,
        grid=(N // BN, c1),
        in_specs=[
            pl.BlockSpec((BN, D_IN), lambda nb, c: (nb, 0)),
            pl.BlockSpec((D_IN, LANE), lambda nb, c: (0, c)),
        ],
        out_specs=pl.BlockSpec((1, BN, LANE), lambda nb, c: (c, nb, 0)),
        out_shape=jax.ShapeDtypeStruct((c1, N, LANE), jnp.float32),
    )(x, W1)


def _tc_scale(deg, xwc):
    c1 = H1 // LANE

    def body(deg_ref, xw_ref, hp_ref, dinv_ref):
        d = deg_ref[...][:, :, 0]
        dinv = jnp.where(d > 0, lax.rsqrt(jnp.maximum(d, 1.0)), 0.0)
        hp_ref[...] = xw_ref[...] * dinv[0][None, :, None]
        dinv_ref[...] = dinv[:, :, None]

    return pl.pallas_call(
        body,
        grid=(N // BN,),
        in_specs=[
            pl.BlockSpec((2, BN, LANE), lambda nb: (0, nb, 0)),
            pl.BlockSpec((c1, BN, LANE), lambda nb: (0, nb, 0)),
        ],
        out_specs=[
            pl.BlockSpec((c1, BN, LANE), lambda nb: (0, nb, 0)),
            pl.BlockSpec((2, BN, 1), lambda nb: (0, nb, 0)),
        ],
        out_shape=[
            jax.ShapeDtypeStruct((c1, N, LANE), jnp.float32),
            jax.ShapeDtypeStruct((2, N, 1), jnp.float32),
        ],
    )(deg, xwc)


def _tc_layer2(agg1, dinv, W2):
    c1 = H1 // LANE
    c2 = H2 // LANE

    def body(agg_ref, dinv_ref, w2_ref, out_ref):
        dout = dinv_ref[0]
        din = dinv_ref[1]
        acc = jnp.zeros((BN, H2), jnp.float32)
        for c in range(c1):
            h = jnp.maximum(agg_ref[c] * din, 0.0)
            acc = acc + jnp.dot(h, w2_ref[c * LANE:(c + 1) * LANE, :],
                                preferred_element_type=jnp.float32)
        h2p = acc * dout
        for c in range(c2):
            out_ref[c] = h2p[:, c * LANE:(c + 1) * LANE]

    return pl.pallas_call(
        body,
        grid=(N // BN,),
        in_specs=[
            pl.BlockSpec((c1, BN, LANE), lambda nb: (0, nb, 0)),
            pl.BlockSpec((2, BN, 1), lambda nb: (0, nb, 0)),
            pl.BlockSpec((H1, H2), lambda nb: (0, 0)),
        ],
        out_specs=pl.BlockSpec((c2, BN, LANE), lambda nb: (0, nb, 0)),
        out_shape=jax.ShapeDtypeStruct((c2, N, LANE), jnp.float32),
    )(agg1, dinv, W2)


def _tc_final(agg2, dinv):
    c2 = H2 // LANE

    def body(agg_ref, dinv_ref, out_ref):
        din = dinv_ref[1]
        for c in range(c2):
            out_ref[:, c * LANE:(c + 1) * LANE] = agg_ref[c] * din

    return pl.pallas_call(
        body,
        grid=(N // BN,),
        in_specs=[
            pl.BlockSpec((c2, BN, LANE), lambda nb: (0, nb, 0)),
            pl.BlockSpec((2, BN, 1), lambda nb: (0, nb, 0)),
        ],
        out_specs=pl.BlockSpec((BN, H2), lambda nb: (nb, 0)),
        out_shape=jax.ShapeDtypeStruct((N, H2), jnp.float32),
    )(agg2, dinv)


def kernel(x, edge_index, W1, W2):
    src = edge_index[0]
    dst = edge_index[1]
    ones128 = jnp.ones((G, LANE), jnp.float32)
    zeros128 = jnp.zeros((NP, LANE), jnp.float32)

    deg = _sc_degree(edge_index.reshape(-1), ones128, zeros128)
    xwc = _tc_matmul1(x, W1)
    hp, dinv = _tc_scale(deg, xwc)
    agg1 = _sc_aggregate(hp.reshape(-1, LANE), src, dst, zeros128,
                         H1 // LANE)
    h2c = _tc_layer2(agg1, dinv, W2)
    agg2 = _sc_aggregate(h2c.reshape(-1, LANE), src, dst, zeros128,
                         H2 // LANE)
    return _tc_final(agg2, dinv)

# --- scband reference (transcript-rebuilt; emitter-appended) ---
"""Pipeline reference for scband-encoder-75840532513265 (READ-ONLY COPY).

The authoritative reference and input builder live on the scoring server;
editing this copy changes nothing except your own understanding.
"""

import jax, jax.numpy as jnp
import numpy as np

N_NODES = 10000
N_EDGES = 160000
D_IN = 256
H1 = 512
H2 = 256


def setup_inputs(seed: int = 0) -> dict:
    key = jax.random.key(seed)
    k1, k2, k3, k4 = jax.random.split(key, 4)
    x = jax.random.normal(k1, (N_NODES, D_IN), dtype=jnp.float32)
    edge_index = jax.random.randint(k2, (2, N_EDGES), 0, N_NODES, dtype=jnp.int32)
    # GCN layer weights (glorot-ish scale)
    W1 = jax.random.normal(k3, (D_IN, H1), dtype=jnp.float32) * (1.0 / np.sqrt(D_IN))
    W2 = jax.random.normal(k4, (H1, H2), dtype=jnp.float32) * (1.0 / np.sqrt(H1))
    return {"x": x, "edge_index": edge_index, "W1": W1, "W2": W2}


def _gcn_layer(x, W, src, dst, n_nodes, activation):
    # h = act( D_dst^{-1/2} A D_src^{-1/2} (x W) )
    h = x @ W
    ones = jnp.ones((src.shape[0],), dtype=x.dtype)
    deg_out = jax.ops.segment_sum(ones, src, num_segments=n_nodes)
    deg_in = jax.ops.segment_sum(ones, dst, num_segments=n_nodes)
    dinv_out = jnp.where(deg_out > 0, jax.lax.rsqrt(jnp.maximum(deg_out, 1.0)), 0.0)
    dinv_in = jnp.where(deg_in > 0, jax.lax.rsqrt(jnp.maximum(deg_in, 1.0)), 0.0)
    norm = (dinv_out[src] * dinv_in[dst])[:, None]
    msgs = h[src] * norm
    agg = jax.ops.segment_sum(msgs, dst, num_segments=n_nodes)
    return activation(agg)


def reference(x, edge_index, W1, W2):
    src = edge_index[0]
    dst = edge_index[1]
    h = _gcn_layer(x, W1, src, dst, N_NODES, jax.nn.relu)
    mean = _gcn_layer(h, W2, src, dst, N_NODES, lambda t: t)
    return mean

if __name__ == "__main__":
    import jax
    _d = setup_inputs()
    print(jax.jit(kernel)(*tuple(_d.values())))

</pallas_src>

<mosaic_0001>
#map = affine_map<(d0, d1) -> (0, 0)>
#map1 = affine_map<(d0, d1) -> (0)>
#map2 = affine_map<(d0, d1) -> (0, 0, 0)>
module attributes {stable_mosaic.version = 14 : i64} {
  func.func @real_body(%arg0: i32, %arg1: i32, %arg2: memref<20000x128xf32, #tpu.memory_space<hbm>>, %arg3: memref<160000xi32, #tpu.memory_space<hbm>>, %arg4: memref<160000xi32, #tpu.memory_space<hbm>>, %arg5: memref<10112x128xf32, #tpu.memory_space<hbm>>, %arg6: memref<2x10112x128xf32, #tpu.memory_space<hbm>>, %arg7: memref<10000xi32, #tpu.memory_space<vmem>>, %arg8: memref<10000xi32, #tpu.memory_space<vmem>>, %arg9: memref<2x112x128xf32, #tpu.memory_space<vmem>>, %arg10: memref<!tpu.dma_semaphore, #tpu.memory_space<semaphore_mem>>, %arg11: memref<!tpu.dma_semaphore, #tpu.memory_space<semaphore_mem>>, %arg12: memref<10112x128xf32, #tpu.memory_space<vmem_shared>>) attributes {dimension_semantics = [#tpu.dimension_semantics<core_parallel>, #tpu.dimension_semantics<subcore_parallel>], iteration_bounds = array<i64: 2, 16>, scalar_prefetch = 0 : i64, scratch_operands = 6 : i64, tpu.core_type = #tpu.core_type<sc_vector_subcore>, window_params = [{transform_indices = #map}, {transform_indices = #map1}, {transform_indices = #map1}, {transform_indices = #map}, {transform_indices = #map2}]} {
    %mul3A = arith.constant 10000 : i32
    %mul3A_0 = arith.muli %arg1, %mul3A : i32
    "tpu.region"() ({
      %run_scoped3A_50 = tpu.sem_alloc : memref<!tpu.dma_semaphore, #tpu.memory_space<semaphore_mem>>
      %dma_start3A_51 = tpu.memref_slice %arg3[%mul3A_0] : memref<160000xi32, #tpu.memory_space<hbm>> -> memref<10000xi32, #tpu.memory_space<hbm>>
      %dma_start3A_52 = tpu.memref_slice %arg3[%mul3A_0] : memref<160000xi32, #tpu.memory_space<hbm>> -> memref<10000xi32, #tpu.memory_space<hbm>>
      tpu.enqueue_dma source(%dma_start3A_52 : memref<10000xi32, #tpu.memory_space<hbm>>) target(%arg7 : memref<10000xi32, #tpu.memory_space<vmem>>) target_semaphore(%run_scoped3A_50 : memref<!tpu.dma_semaphore, #tpu.memory_space<semaphore_mem>>)
      %dma_wait3A_53 = tpu.memref_slice %arg3[%mul3A_0] : memref<160000xi32, #tpu.memory_space<hbm>> -> memref<10000xi32, #tpu.memory_space<hbm>>
      %dma_wait3A_54 = tpu.memref_slice %arg3[%mul3A_0] : memref<160000xi32, #tpu.memory_space<hbm>> -> memref<10000xi32, #tpu.memory_space<hbm>>
      tpu.wait_dma2 semaphore(%run_scoped3A_50 : memref<!tpu.dma_semaphore, #tpu.memory_space<semaphore_mem>>) src(%dma_wait3A_54 : memref<10000xi32, #tpu.memory_space<hbm>>) dst(%arg7 : memref<10000xi32, #tpu.memory_space<vmem>>)
      tpu.yield
    }) : () -> ()
    %mul3A_1 = arith.constant 10000 : i32
    %mul3A_2 = arith.muli %arg1, %mul3A_1 : i32
    "tpu.region"() ({
      %run_scoped3A_50 = tpu.sem_alloc : memref<!tpu.dma_semaphore, #tpu.memory_space<semaphore_mem>>
      %dma_start3A_51 = tpu.memref_slice %arg4[%mul3A_2] : memref<160000xi32, #tpu.memory_space<hbm>> -> memref<10000xi32, #tpu.memory_space<hbm>>
      %dma_start3A_52 = tpu.memref_slice %arg4[%mul3A_2] : memref<160000xi32, #tpu.memory_space<hbm>> -> memref<10000xi32, #tpu.memory_space<hbm>>
      tpu.enqueue_dma source(%dma_start3A_52 : memref<10000xi32, #tpu.memory_space<hbm>>) target(%arg8 : memref<10000xi32, #tpu.memory_space<vmem>>) target_semaphore(%run_scoped3A_50 : memref<!tpu.dma_semaphore, #tpu.memory_space<semaphore_mem>>)
      %dma_wait3A_53 = tpu.memref_slice %arg4[%mul3A_2] : memref<160000xi32, #tpu.memory_space<hbm>> -> memref<10000xi32, #tpu.memory_space<hbm>>
      %dma_wait3A_54 = tpu.memref_slice %arg4[%mul3A_2] : memref<160000xi32, #tpu.memory_space<hbm>> -> memref<10000xi32, #tpu.memory_space<hbm>>
      tpu.wait_dma2 semaphore(%run_scoped3A_50 : memref<!tpu.dma_semaphore, #tpu.memory_space<semaphore_mem>>) src(%dma_wait3A_54 : memref<10000xi32, #tpu.memory_space<hbm>>) dst(%arg8 : memref<10000xi32, #tpu.memory_space<vmem>>)
      tpu.yield
    }) : () -> ()
    %mul3A_3 = arith.constant 1 : i32
    %mul3A_4 = arith.muli %arg0, %mul3A_3 : i32
    %add3A = arith.constant 0 : i32
    %add3A_5 = arith.addi %mul3A_4, %add3A : i32
    %mul3A_6 = arith.constant 1 : i32
    %mul3A_7 = arith.muli %arg0, %mul3A_6 : i32
    %mul3A_8 = arith.constant 10000 : i32
    %mul3A_9 = arith.muli %mul3A_7, %mul3A_8 : i32
    %scan3A = arith.constant 0 : i32
    %scan3A_10 = arith.constant 0 : i32
    %scan3A_11 = arith.constant 625 : i32
    %scan3A_12 = arith.addi %scan3A_10, %scan3A_11 : i32
    %scan3A_13 = arith.constant 1 : i32
    scf.for %scan3A_50 = %scan3A_10 to %scan3A_12 step %scan3A_13  : i32 {
      %mul3A_51 = arith.constant 16 : i32
      %mul3A_52 = arith.muli %scan3A_50, %mul3A_51 : i32
      %get3A = arith.index_cast %mul3A_52 : i32 to index
      %get3A_53 = tpu.vector_load %arg7[%get3A] {strides = array<i32>} : memref<10000xi32, #tpu.memory_space<vmem>>, vector<16xi32>,
      %get3A_54 = vector.shape_cast %get3A_53 : vector<16xi32> to vector<16xi32>
      %add3A_55 = vector.broadcast %mul3A_9 : i32 to vector<16xi32>
      %add3A_56 = arith.addi %get3A_54, %add3A_55 : vector<16xi32>
      %mul3A_57 = arith.constant 16 : i32
      %mul3A_58 = arith.muli %scan3A_50, %mul3A_57 : i32
      %swap3A = arith.index_cast %mul3A_58 : i32 to index
      %swap3A_59 = tpu.vector_load %arg7[%swap3A] {strides = array<i32>} : memref<10000xi32, #tpu.memory_space<vmem>>, vector<16xi32>,
      %swap3A_60 = vector.shape_cast %swap3A_59 : vector<16xi32> to vector<16xi32>
      %swap3A_61 = vector.shape_cast %add3A_56 : vector<16xi32> to vector<16xi32>
      tpu.vector_store %arg7[%swap3A], %swap3A_61 {strides = array<i32>} : memref<10000xi32, #tpu.memory_space<vmem>>, vector<16xi32>,
    }
    %scan3A_14 = arith.constant 625 : i32
    %mul3A_15 = arith.constant 632 : i32
    %mul3A_16 = arith.muli %arg1, %mul3A_15 : i32
    %mul3A_17 = arith.constant 632 : i32
    %mul3A_18 = arith.muli %arg1, %mul3A_17 : i32
    "tpu.region"() ({
      %run_scoped3A_50 = tpu.sem_alloc : memref<!tpu.dma_semaphore, #tpu.memory_space<semaphore_mem>>
      %dma_start3A_51 = arith.constant 0 : i32
      %dma_start3A_52 = tpu.memref_slice %arg12[%mul3A_18, %dma_start3A_51] : memref<10112x128xf32, #tpu.memory_space<vmem_shared>> -> memref<632x128xf32, #tpu.memory_space<vmem_shared>>
      %dma_start3A_53 = arith.constant 0 : i32
      %dma_start3A_54 = tpu.memref_slice %arg5[%mul3A_16, %dma_start3A_53] : memref<10112x128xf32, #tpu.memory_space<hbm>> -> memref<632x128xf32, #tpu.memory_space<hbm>>
      tpu.enqueue_dma source(%dma_start3A_54 : memref<632x128xf32, #tpu.memory_space<hbm>>) target(%dma_start3A_52 : memref<632x128xf32, #tpu.memory_space<vmem_shared>>) target_semaphore(%run_scoped3A_50 : memref<!tpu.dma_semaphore, #tpu.memory_space<semaphore_mem>>)
      %dma_wait3A_55 = arith.constant 0 : i32
      %dma_wait3A_56 = tpu.memref_slice %arg12[%mul3A_18, %dma_wait3A_55] : memref<10112x128xf32, #tpu.memory_space<vmem_shared>> -> memref<632x128xf32, #tpu.memory_space<vmem_shared>>
      %dma_wait3A_57 = arith.constant 0 : i32
      %dma_wait3A_58 = tpu.memref_slice %arg5[%mul3A_16, %dma_wait3A_57] : memref<10112x128xf32, #tpu.memory_space<hbm>> -> memref<632x128xf32, #tpu.memory_space<hbm>>
      tpu.wait_dma2 semaphore(%run_scoped3A_50 : memref<!tpu.dma_semaphore, #tpu.memory_space<semaphore_mem>>) src(%dma_wait3A_58 : memref<632x128xf32, #tpu.memory_space<hbm>>) dst(%dma_wait3A_56 : memref<632x128xf32, #tpu.memory_space<vmem_shared>>)
      tpu.yield
    }) : () -> ()
    %barrier3A = arith.constant 0 : index
    tpu.barrier barrier_id(%barrier3A)
    %dma_start3A = arith.constant 0 : i32
    %dma_start3A_19 = arith.constant 0 : i32
    %dma_start3A_20 = arith.constant 0 : i32
    %dma_start3A_21 = tpu.memref_slice %arg9[%dma_start3A, %dma_start3A_19, %dma_start3A_20] : memref<2x112x128xf32, #tpu.memory_space<vmem>> -> memref<1x112x128xf32, #tpu.memory_space<vmem>>
    %dma_start3A_22 = tpu.memref_squeeze %dma_start3A_21 : memref<1x112x128xf32, #tpu.memory_space<vmem>> -> memref<112x128xf32, #tpu.memory_space<vmem>>
    %dma_start3A_23 = arith.constant 0 : i32
    %dma_start3A_24 = tpu.memref_slice %arg7[%dma_start3A_23] : memref<10000xi32, #tpu.memory_space<vmem>> -> memref<112xi32, #tpu.memory_space<vmem>>
    %dma_start3A_25 = arith.constant 0 : i32
    %dma_start3A_26 = arith.constant 0 : i32
    %dma_start3A_27 = tpu.memref_slice %arg2[%dma_start3A_25, %dma_start3A_26] : memref<20000x128xf32, #tpu.memory_space<hbm>> -> memref<20000x128xf32, #tpu.memory_space<hbm>>
    tpu.enqueue_indirect_dma source(%dma_start3A_27 : memref<20000x128xf32, #tpu.memory_space<hbm>>) target(%dma_start3A_22 : memref<112x128xf32, #tpu.memory_space<vmem>>) offsets(%dma_start3A_24 : memref<112xi32, #tpu.memory_space<vmem>>) semaphore(%arg10 : memref<!tpu.dma_semaphore, #tpu.memory_space<semaphore_mem>>)
    %scan3A_28 = arith.constant 0 : i32
    %scan3A_29 = arith.constant 0 : i32
    %scan3A_30 = arith.constant 89 : i32
    %scan3A_31 = arith.addi %scan3A_29, %scan3A_30 : i32
    %scan3A_32 = arith.constant 1 : i32
    scf.for %scan3A_50 = %scan3A_29 to %scan3A_31 step %scan3A_32  : i32 {
      %rem3A = arith.constant 2 : i32
      %rem3A_51 = arith.remsi %scan3A_50, %rem3A : i32
      %mul3A_52 = arith.constant 112 : i32
      %mul3A_53 = arith.muli %scan3A_50, %mul3A_52 : i32
      %dma_wait3A_54 = arith.constant 0 : i32
      %dma_wait3A_55 = arith.constant 0 : i32
      %dma_wait3A_56 = tpu.memref_slice %arg9[%rem3A_51, %dma_wait3A_54, %dma_wait3A_55] : memref<2x112x128xf32, #tpu.memory_space<vmem>> -> memref<1x112x128xf32, #tpu.memory_space<vmem>>
      %dma_wait3A_57 = tpu.memref_squeeze %dma_wait3A_56 : memref<1x112x128xf32, #tpu.memory_space<vmem>> -> memref<112x128xf32, #tpu.memory_space<vmem>>
      %dma_wait3A_58 = tpu.memref_slice %arg7[%mul3A_53] : memref<10000xi32, #tpu.memory_space<vmem>> -> memref<112xi32, #tpu.memory_space<vmem>>
      %dma_wait3A_59 = arith.constant 0 : i32
      %dma_wait3A_60 = arith.constant 0 : i32
      %dma_wait3A_61 = tpu.memref_slice %arg2[%dma_wait3A_59, %dma_wait3A_60] : memref<20000x128xf32, #tpu.memory_space<hbm>> -> memref<20000x128xf32, #tpu.memory_space<hbm>>
      tpu.wait_indirect_dma semaphore(%arg10 : memref<!tpu.dma_semaphore, #tpu.memory_space<semaphore_mem>>) src(%dma_wait3A_61 : memref<20000x128xf32, #tpu.memory_space<hbm>>) dst(%dma_wait3A_57 : memref<112x128xf32, #tpu.memory_space<vmem>>)
      %mul3A_62 = arith.constant 112 : i32
      %mul3A_63 = arith.muli %scan3A_50, %mul3A_62 : i32
      %dma_start3A_64 = arith.constant 0 : i32
      %dma_start3A_65 = arith.constant 0 : i32
      %dma_start3A_66 = tpu.memref_slice %arg9[%rem3A_51, %dma_start3A_64, %dma_start3A_65] : memref<2x112x128xf32, #tpu.memory_space<vmem>> -> memref<1x112x128xf32, #tpu.memory_space<vmem>>
      %dma_start3A_67 = tpu.memref_squeeze %dma_start3A_66 : memref<1x112x128xf32, #tpu.memory_space<vmem>> -> memref<112x128xf32, #tpu.memory_space<vmem>>
      %dma_start3A_68 = tpu.memref_slice %arg8[%mul3A_63] : memref<10000xi32, #tpu.memory_space<vmem>> -> memref<112xi32, #tpu.memory_space<vmem>>
      %dma_start3A_69 = arith.constant 0 : i32
      %dma_start3A_70 = arith.constant 0 : i32
      %dma_start3A_71 = tpu.memref_slice %arg12[%dma_start3A_69, %dma_start3A_70] : memref<10112x128xf32, #tpu.memory_space<vmem_shared>> -> memref<10112x128xf32, #tpu.memory_space<vmem_shared>>
      tpu.enqueue_indirect_dma source(%dma_start3A_67 : memref<112x128xf32, #tpu.memory_space<vmem>>) target(%dma_start3A_71 : memref<10112x128xf32, #tpu.memory_space<vmem_shared>>) offsets(%dma_start3A_68 : memref<112xi32, #tpu.memory_space<vmem>>) semaphore(%arg11 : memref<!tpu.dma_semaphore, #tpu.memory_space<semaphore_mem>>) {add = true}
      %ge3A = arith.constant 1 : i32
      %ge3A_72 = arith.cmpi sge, %scan3A_50, %ge3A : i32
      %convert_element_type3A = arith.extui %ge3A_72 : i1 to i32
      %cond3A = arith.constant 0 : i32
      %cond3A_73 = arith.cmpi ne, %convert_element_type3A, %cond3A : i32
      scf.if %cond3A_73 {
        %sub3A = arith.constant 1 : i32
        %sub3A_80 = arith.subi %sub3A, %rem3A_51 : i32
        %sub3A_81 = arith.constant 1 : i32
        %sub3A_82 = arith.subi %scan3A_50, %sub3A_81 : i32
        %mul3A_83 = arith.constant 112 : i32
        %mul3A_84 = arith.muli %sub3A_82, %mul3A_83 : i32
        %dma_wait3A_85 = arith.constant 0 : i32
        %dma_wait3A_86 = arith.constant 0 : i32
        %dma_wait3A_87 = tpu.memref_slice %arg9[%sub3A_80, %dma_wait3A_85, %dma_wait3A_86] : memref<2x112x128xf32, #tpu.memory_space<vmem>> -> memref<1x112x128xf32, #tpu.memory_space<vmem>>
        %dma_wait3A_88 = tpu.memref_squeeze %dma_wait3A_87 : memref<1x112x128xf32, #tpu.memory_space<vmem>> -> memref<112x128xf32, #tpu.memory_space<vmem>>
        %dma_wait3A_89 = tpu.memref_slice %arg8[%mul3A_84] : memref<10000xi32, #tpu.memory_space<vmem>> -> memref<112xi32, #tpu.memory_space<vmem>>
        %dma_wait3A_90 = arith.constant 0 : i32
        %dma_wait3A_91 = arith.constant 0 : i32
        %dma_wait3A_92 = tpu.memref_slice %arg12[%dma_wait3A_90, %dma_wait3A_91] : memref<10112x128xf32, #tpu.memory_space<vmem_shared>> -> memref<10112x128xf32, #tpu.memory_space<vmem_shared>>
        tpu.wait_indirect_dma semaphore(%arg11 : memref<!tpu.dma_semaphore, #tpu.memory_space<semaphore_mem>>) src(%dma_wait3A_88 : memref<112x128xf32, #tpu.memory_space<vmem>>) dst(%dma_wait3A_92 : memref<10112x128xf32, #tpu.memory_space<vmem_shared>>)
      } else {
      }
      %add3A_74 = arith.constant 1 : i32
      %add3A_75 = arith.addi %scan3A_50, %add3A_74 : i32
      %lt3A = arith.constant 89 : i32
      %lt3A_76 = arith.cmpi slt, %add3A_75, %lt3A : i32
      %convert_element_type3A_77 = arith.extui %lt3A_76 : i1 to i32
      %cond3A_78 = arith.constant 0 : i32
      %cond3A_79 = arith.cmpi ne, %convert_element_type3A_77, %cond3A_78 : i32
      scf.if %cond3A_79 {
        %add3A_80 = arith.constant 1 : i32
        %add3A_81 = arith.addi %scan3A_50, %add3A_80 : i32
        %mul3A_82 = arith.constant 112 : i32
        %mul3A_83 = arith.muli %add3A_81, %mul3A_82 : i32
        %sub3A = arith.constant 1 : i32
        %sub3A_84 = arith.subi %sub3A, %rem3A_51 : i32
        %dma_start3A_85 = arith.constant 0 : i32
        %dma_start3A_86 = arith.constant 0 : i32
        %dma_start3A_87 = tpu.memref_slice %arg9[%sub3A_84, %dma_start3A_85, %dma_start3A_86] : memref<2x112x128xf32, #tpu.memory_space<vmem>> -> memref<1x112x128xf32, #tpu.memory_space<vmem>>
        %dma_start3A_88 = tpu.memref_squeeze %dma_start3A_87 : memref<1x112x128xf32, #tpu.memory_space<vmem>> -> memref<112x128xf32, #tpu.memory_space<vmem>>
        %dma_start3A_89 = tpu.memref_slice %arg7[%mul3A_83] : memref<10000xi32, #tpu.memory_space<vmem>> -> memref<112xi32, #tpu.memory_space<vmem>>
        %dma_start3A_90 = arith.constant 0 : i32
        %dma_start3A_91 = arith.constant 0 : i32
        %dma_start3A_92 = tpu.memref_slice %arg2[%dma_start3A_90, %dma_start3A_91] : memref<20000x128xf32, #tpu.memory_space<hbm>> -> memref<20000x128xf32, #tpu.memory_space<hbm>>
        tpu.enqueue_indirect_dma source(%dma_start3A_92 : memref<20000x128xf32, #tpu.memory_space<hbm>>) target(%dma_start3A_88 : memref<112x128xf32, #tpu.memory_space<vmem>>) offsets(%dma_start3A_89 : memref<112xi32, #tpu.memory_space<vmem>>) semaphore(%arg10 : memref<!tpu.dma_semaphore, #tpu.memory_space<semaphore_mem>>)
      } else {
      }
    }
    %scan3A_33 = arith.constant 89 : i32
    %dma_wait3A = arith.constant 0 : i32
    %dma_wait3A_34 = arith.constant 0 : i32
    %dma_wait3A_35 = arith.constant 0 : i32
    %dma_wait3A_36 = tpu.memref_slice %arg9[%dma_wait3A, %dma_wait3A_34, %dma_wait3A_35] : memref<2x112x128xf32, #tpu.memory_space<vmem>> -> memref<1x112x128xf32, #tpu.memory_space<vmem>>
    %dma_wait3A_37 = tpu.memref_squeeze %dma_wait3A_36 : memref<1x112x128xf32, #tpu.memory_space<vmem>> -> memref<112x128xf32, #tpu.memory_space<vmem>>
    %dma_wait3A_38 = arith.constant 9856 : i32
    %dma_wait3A_39 = tpu.memref_slice %arg8[%dma_wait3A_38] : memref<10000xi32, #tpu.memory_space<vmem>> -> memref<112xi32, #tpu.memory_space<vmem>>
    %dma_wait3A_40 = arith.constant 0 : i32
    %dma_wait3A_41 = arith.constant 0 : i32
    %dma_wait3A_42 = tpu.memref_slice %arg12[%dma_wait3A_40, %dma_wait3A_41] : memref<10112x128xf32, #tpu.memory_space<vmem_shared>> -> memref<10112x128xf32, #tpu.memory_space<vmem_shared>>
    tpu.wait_indirect_dma semaphore(%arg11 : memref<!tpu.dma_semaphore, #tpu.memory_space<semaphore_mem>>) src(%dma_wait3A_37 : memref<112x128xf32, #tpu.memory_space<vmem>>) dst(%dma_wait3A_42 : memref<10112x128xf32, #tpu.memory_space<vmem_shared>>)
    %run_scoped3A = arith.constant 0 : i32
    "tpu.region"() ({
      %run_scoped3A_50 = tpu.sem_alloc : memref<!tpu.dma_semaphore, #tpu.memory_space<semaphore_mem>>
      %dma_start3A_51 = arith.constant 0 : i32
      %dma_start3A_52 = arith.constant 0 : i32
      %dma_start3A_53 = tpu.memref_slice %arg9[%run_scoped3A, %dma_start3A_51, %dma_start3A_52] : memref<2x112x128xf32, #tpu.memory_space<vmem>> -> memref<1x32x128xf32, #tpu.memory_space<vmem>>
      %dma_start3A_54 = tpu.memref_squeeze %dma_start3A_53 : memref<1x32x128xf32, #tpu.memory_space<vmem>> -> memref<32x128xf32, #tpu.memory_space<vmem>>
      %dma_start3A_55 = arith.constant 9968 : i32
      %dma_start3A_56 = tpu.memref_slice %arg7[%dma_start3A_55] : memref<10000xi32, #tpu.memory_space<vmem>> -> memref<32xi32, #tpu.memory_space<vmem>>
      %dma_start3A_57 = arith.constant 0 : i32
      %dma_start3A_58 = arith.constant 0 : i32
      %dma_start3A_59 = tpu.memref_slice %arg2[%dma_start3A_57, %dma_start3A_58] : memref<20000x128xf32, #tpu.memory_space<hbm>> -> memref<20000x128xf32, #tpu.memory_space<hbm>>
      tpu.enqueue_indirect_dma source(%dma_start3A_59 : memref<20000x128xf32, #tpu.memory_space<hbm>>) target(%dma_start3A_54 : memref<32x128xf32, #tpu.memory_space<vmem>>) offsets(%dma_start3A_56 : memref<32xi32, #tpu.memory_space<vmem>>) semaphore(%run_scoped3A_50 : memref<!tpu.dma_semaphore, #tpu.memory_space<semaphore_mem>>)
      %dma_wait3A_60 = arith.constant 0 : i32
      %dma_wait3A_61 = arith.constant 0 : i32
      %dma_wait3A_62 = tpu.memref_slice %arg9[%run_scoped3A, %dma_wait3A_60, %dma_wait3A_61] : memref<2x112x128xf32, #tpu.memory_space<vmem>> -> memref<1x32x128xf32, #tpu.memory_space<vmem>>
      %dma_wait3A_63 = tpu.memref_squeeze %dma_wait3A_62 : memref<1x32x128xf32, #tpu.memory_space<vmem>> -> memref<32x128xf32, #tpu.memory_space<vmem>>
      %dma_wait3A_64 = arith.constant 9968 : i32
      %dma_wait3A_65 = tpu.memref_slice %arg7[%dma_wait3A_64] : memref<10000xi32, #tpu.memory_space<vmem>> -> memref<32xi32, #tpu.memory_space<vmem>>
      %dma_wait3A_66 = arith.constant 0 : i32
      %dma_wait3A_67 = arith.constant 0 : i32
      %dma_wait3A_68 = tpu.memref_slice %arg2[%dma_wait3A_66, %dma_wait3A_67] : memref<20000x128xf32, #tpu.memory_space<hbm>> -> memref<20000x128xf32, #tpu.memory_space<hbm>>
      tpu.wait_indirect_dma semaphore(%run_scoped3A_50 : memref<!tpu.dma_semaphore, #tpu.memory_space<semaphore_mem>>) src(%dma_wait3A_68 : memref<20000x128xf32, #tpu.memory_space<hbm>>) dst(%dma_wait3A_63 : memref<32x128xf32, #tpu.memory_space<vmem>>)
      tpu.yield
    }) : () -> ()
    %run_scoped3A_43 = arith.constant 0 : i32
    "tpu.region"() ({
      %run_scoped3A_50 = tpu.sem_alloc : memref<!tpu.dma_semaphore, #tpu.memory_space<semaphore_mem>>
      %dma_start3A_51 = arith.constant 0 : i32
      %dma_start3A_52 = arith.constant 0 : i32
      %dma_start3A_53 = tpu.memref_slice %arg9[%run_scoped3A_43, %dma_start3A_51, %dma_start3A_52] : memref<2x112x128xf32, #tpu.memory_space<vmem>> -> memref<1x32x128xf32, #tpu.memory_space<vmem>>
      %dma_start3A_54 = tpu.memref_squeeze %dma_start3A_53 : memref<1x32x128xf32, #tpu.memory_space<vmem>> -> memref<32x128xf32, #tpu.memory_space<vmem>>
      %dma_start3A_55 = arith.constant 9968 : i32
      %dma_start3A_56 = tpu.memref_slice %arg8[%dma_start3A_55] : memref<10000xi32, #tpu.memory_space<vmem>> -> memref<32xi32, #tpu.memory_space<vmem>>
      %dma_start3A_57 = arith.constant 0 : i32
      %dma_start3A_58 = arith.constant 0 : i32
      %dma_start3A_59 = tpu.memref_slice %arg12[%dma_start3A_57, %dma_start3A_58] : memref<10112x128xf32, #tpu.memory_space<vmem_shared>> -> memref<10112x128xf32, #tpu.memory_space<vmem_shared>>
      tpu.enqueue_indirect_dma source(%dma_start3A_54 : memref<32x128xf32, #tpu.memory_space<vmem>>) target(%dma_start3A_59 : memref<10112x128xf32, #tpu.memory_space<vmem_shared>>) offsets(%dma_start3A_56 : memref<32xi32, #tpu.memory_space<vmem>>) semaphore(%run_scoped3A_50 : memref<!tpu.dma_semaphore, #tpu.memory_space<semaphore_mem>>) {add = true}
      %dma_wait3A_60 = arith.constant 0 : i32
      %dma_wait3A_61 = arith.constant 0 : i32
      %dma_wait3A_62 = tpu.memref_slice %arg9[%run_scoped3A_43, %dma_wait3A_60, %dma_wait3A_61] : memref<2x112x128xf32, #tpu.memory_space<vmem>> -> memref<1x32x128xf32, #tpu.memory_space<vmem>>
      %dma_wait3A_63 = tpu.memref_squeeze %dma_wait3A_62 : memref<1x32x128xf32, #tpu.memory_space<vmem>> -> memref<32x128xf32, #tpu.memory_space<vmem>>
      %dma_wait3A_64 = arith.constant 9968 : i32
      %dma_wait3A_65 = tpu.memref_slice %arg8[%dma_wait3A_64] : memref<10000xi32, #tpu.memory_space<vmem>> -> memref<32xi32, #tpu.memory_space<vmem>>
      %dma_wait3A_66 = arith.constant 0 : i32
      %dma_wait3A_67 = arith.constant 0 : i32
      %dma_wait3A_68 = tpu.memref_slice %arg12[%dma_wait3A_66, %dma_wait3A_67] : memref<10112x128xf32, #tpu.memory_space<vmem_shared>> -> memref<10112x128xf32, #tpu.memory_space<vmem_shared>>
      tpu.wait_indirect_dma semaphore(%run_scoped3A_50 : memref<!tpu.dma_semaphore, #tpu.memory_space<semaphore_mem>>) src(%dma_wait3A_63 : memref<32x128xf32, #tpu.memory_space<vmem>>) dst(%dma_wait3A_68 : memref<10112x128xf32, #tpu.memory_space<vmem_shared>>)
      tpu.yield
    }) : () -> ()
    %barrier3A_44 = arith.constant 0 : index
    tpu.barrier barrier_id(%barrier3A_44)
    %mul3A_45 = arith.constant 632 : i32
    %mul3A_46 = arith.muli %arg1, %mul3A_45 : i32
    %mul3A_47 = arith.constant 632 : i32
    %mul3A_48 = arith.muli %arg1, %mul3A_47 : i32
    "tpu.region"() ({
      %run_scoped3A_50 = tpu.sem_alloc : memref<!tpu.dma_semaphore, #tpu.memory_space<semaphore_mem>>
      %dma_start3A_51 = arith.constant 0 : i32
      %dma_start3A_52 = tpu.memref_slice %arg6[%add3A_5, %mul3A_48, %dma_start3A_51] : memref<2x10112x128xf32, #tpu.memory_space<hbm>> -> memref<1x632x128xf32, #tpu.memory_space<hbm>>
      %dma_start3A_53 = tpu.memref_squeeze %dma_start3A_52 : memref<1x632x128xf32, #tpu.memory_space<hbm>> -> memref<632x128xf32, #tpu.memory_space<hbm>>
      %dma_start3A_54 = arith.constant 0 : i32
      %dma_start3A_55 = tpu.memref_slice %arg12[%mul3A_46, %dma_start3A_54] : memref<10112x128xf32, #tpu.memory_space<vmem_shared>> -> memref<632x128xf32, #tpu.memory_space<vmem_shared>>
      tpu.enqueue_dma source(%dma_start3A_55 : memref<632x128xf32, #tpu.memory_space<vmem_shared>>) target(%dma_start3A_53 : memref<632x128xf32, #tpu.memory_space<hbm>>) target_semaphore(%run_scoped3A_50 : memref<!tpu.dma_semaphore, #tpu.memory_space<semaphore_mem>>)
      %dma_wait3A_56 = arith.constant 0 : i32
      %dma_wait3A_57 = tpu.memref_slice %arg6[%add3A_5, %mul3A_48, %dma_wait3A_56] : memref<2x10112x128xf32, #tpu.memory_space<hbm>> -> memref<1x632x128xf32, #tpu.memory_space<hbm>>
      %dma_wait3A_58 = tpu.memref_squeeze %dma_wait3A_57 : memref<1x632x128xf32, #tpu.memory_space<hbm>> -> memref<632x128xf32, #tpu.memory_space<hbm>>
      %dma_wait3A_59 = arith.constant 0 : i32
      %dma_wait3A_60 = tpu.memref_slice %arg12[%mul3A_46, %dma_wait3A_59] : memref<10112x128xf32, #tpu.memory_space<vmem_shared>> -> memref<632x128xf32, #tpu.memory_space<vmem_shared>>
      tpu.wait_dma2 semaphore(%run_scoped3A_50 : memref<!tpu.dma_semaphore, #tpu.memory_space<semaphore_mem>>) src(%dma_wait3A_60 : memref<632x128xf32, #tpu.memory_space<vmem_shared>>) dst(%dma_wait3A_58 : memref<632x128xf32, #tpu.memory_space<hbm>>)
      tpu.yield
    }) : () -> ()
    %barrier3A_49 = arith.constant 0 : index
    tpu.barrier barrier_id(%barrier3A_49)
    return
  }
}

#map = affine_map<(d0, d1) -> (0)>
#map1 = affine_map<(d0, d1) -> (0, 0)>
#map2 = affine_map<(d0, d1) -> (0, 0, 0)>
module attributes {stable_mosaic.version = 14 : i64} {
  func.func @body(%arg0: i32, %arg1: i32, %arg2: memref<320000xi32, #tpu.memory_space<hbm>>, %arg3: memref<312x128xf32, #tpu.memory_space<hbm>>, %arg4: memref<10112x128xf32, #tpu.memory_space<hbm>>, %arg5: memref<2x10112x128xf32, #tpu.memory_space<hbm>>, %arg6: memref<10000xi32, #tpu.memory_space<vmem>>, %arg7: memref<312x128xf32, #tpu.memory_space<vmem>>, %arg8: memref<!tpu.dma_semaphore, #tpu.memory_space<semaphore_mem>>, %arg9: memref<10112x128xf32, #tpu.memory_space<vmem_shared>>) attributes {dimension_semantics = [#tpu.dimension_semantics<core_parallel>, #tpu.dimension_semantics<subcore_parallel>], iteration_bounds = array<i64: 2, 16>, scalar_prefetch = 0 : i64, scratch_operands = 4 : i64, tpu.core_type = #tpu.core_type<sc_vector_subcore>, window_params = [{transform_indices = #map}, {transform_indices = #map1}, {transform_indices = #map1}, {transform_indices = #map2}]} {
    %mul3A = arith.constant 160000 : i32
    %mul3A_0 = arith.muli %arg0, %mul3A : i32
    %mul3A_1 = arith.constant 10000 : i32
    %mul3A_2 = arith.muli %arg1, %mul3A_1 : i32
    %add3A = arith.addi %mul3A_0, %mul3A_2 : i32
    "tpu.region"() ({
      %run_scoped3A = tpu.sem_alloc : memref<!tpu.dma_semaphore, #tpu.memory_space<semaphore_mem>>
      %dma_start3A_37 = tpu.memref_slice %arg2[%add3A] : memref<320000xi32, #tpu.memory_space<hbm>> -> memref<10000xi32, #tpu.memory_space<hbm>>
      %dma_start3A_38 = tpu.memref_slice %arg2[%add3A] : memref<320000xi32, #tpu.memory_space<hbm>> -> memref<10000xi32, #tpu.memory_space<hbm>>
      tpu.enqueue_dma source(%dma_start3A_38 : memref<10000xi32, #tpu.memory_space<hbm>>) target(%arg6 : memref<10000xi32, #tpu.memory_space<vmem>>) target_semaphore(%run_scoped3A : memref<!tpu.dma_semaphore, #tpu.memory_space<semaphore_mem>>)
      %dma_wait3A_39 = tpu.memref_slice %arg2[%add3A] : memref<320000xi32, #tpu.memory_space<hbm>> -> memref<10000xi32, #tpu.memory_space<hbm>>
      %dma_wait3A_40 = tpu.memref_slice %arg2[%add3A] : memref<320000xi32, #tpu.memory_space<hbm>> -> memref<10000xi32, #tpu.memory_space<hbm>>
      tpu.wait_dma2 semaphore(%run_scoped3A : memref<!tpu.dma_semaphore, #tpu.memory_space<semaphore_mem>>) src(%dma_wait3A_40 : memref<10000xi32, #tpu.memory_space<hbm>>) dst(%arg6 : memref<10000xi32, #tpu.memory_space<vmem>>)
      tpu.yield
    }) : () -> ()
    "tpu.region"() ({
      %run_scoped3A = tpu.sem_alloc : memref<!tpu.dma_semaphore, #tpu.memory_space<semaphore_mem>>
      tpu.enqueue_dma source(%arg3 : memref<312x128xf32, #tpu.memory_space<hbm>>) target(%arg7 : memref<312x128xf32, #tpu.memory_space<vmem>>) target_semaphore(%run_scoped3A : memref<!tpu.dma_semaphore, #tpu.memory_space<semaphore_mem>>)
      tpu.wait_dma2 semaphore(%run_scoped3A : memref<!tpu.dma_semaphore, #tpu.memory_space<semaphore_mem>>) src(%arg3 : memref<312x128xf32, #tpu.memory_space<hbm>>) dst(%arg7 : memref<312x128xf32, #tpu.memory_space<vmem>>)
      tpu.yield
    }) : () -> ()
    %mul3A_3 = arith.constant 632 : i32
    %mul3A_4 = arith.muli %arg1, %mul3A_3 : i32
    %mul3A_5 = arith.constant 632 : i32
    %mul3A_6 = arith.muli %arg1, %mul3A_5 : i32
    "tpu.region"() ({
      %run_scoped3A = tpu.sem_alloc : memref<!tpu.dma_semaphore, #tpu.memory_space<semaphore_mem>>
      %dma_start3A_37 = arith.constant 0 : i32
      %dma_start3A_38 = tpu.memref_slice %arg9[%mul3A_6, %dma_start3A_37] : memref<10112x128xf32, #tpu.memory_space<vmem_shared>> -> memref<632x128xf32, #tpu.memory_space<vmem_shared>>
      %dma_start3A_39 = arith.constant 0 : i32
      %dma_start3A_40 = tpu.memref_slice %arg4[%mul3A_4, %dma_start3A_39] : memref<10112x128xf32, #tpu.memory_space<hbm>> -> memref<632x128xf32, #tpu.memory_space<hbm>>
      tpu.enqueue_dma source(%dma_start3A_40 : memref<632x128xf32, #tpu.memory_space<hbm>>) target(%dma_start3A_38 : memref<632x128xf32, #tpu.memory_space<vmem_shared>>) target_semaphore(%run_scoped3A : memref<!tpu.dma_semaphore, #tpu.memory_space<semaphore_mem>>)
      %dma_wait3A_41 = arith.constant 0 : i32
      %dma_wait3A_42 = tpu.memref_slice %arg9[%mul3A_6, %dma_wait3A_41] : memref<10112x128xf32, #tpu.memory_space<vmem_shared>> -> memref<632x128xf32, #tpu.memory_space<vmem_shared>>
      %dma_wait3A_43 = arith.constant 0 : i32
      %dma_wait3A_44 = tpu.memref_slice %arg4[%mul3A_4, %dma_wait3A_43] : memref<10112x128xf32, #tpu.memory_space<hbm>> -> memref<632x128xf32, #tpu.memory_space<hbm>>
      tpu.wait_dma2 semaphore(%run_scoped3A : memref<!tpu.dma_semaphore, #tpu.memory_space<semaphore_mem>>) src(%dma_wait3A_44 : memref<632x128xf32, #tpu.memory_space<hbm>>) dst(%dma_wait3A_42 : memref<632x128xf32, #tpu.memory_space<vmem_shared>>)
      tpu.yield
    }) : () -> ()
    %barrier3A = arith.constant 0 : index
    tpu.barrier barrier_id(%barrier3A)
    %scan3A = arith.constant 0 : i32
    %scan3A_7 = arith.constant 0 : i32
    %scan3A_8 = arith.constant 32 : i32
    %scan3A_9 = arith.addi %scan3A_7, %scan3A_8 : i32
    %scan3A_10 = arith.constant 1 : i32
    scf.for %scan3A_37 = %scan3A_7 to %scan3A_9 step %scan3A_10  : i32 {
      %mul3A_38 = arith.constant 312 : i32
      %mul3A_39 = arith.muli %scan3A_37, %mul3A_38 : i32
      %dma_start3A_40 = tpu.memref_slice %arg6[%mul3A_39] : memref<10000xi32, #tpu.memory_space<vmem>> -> memref<312xi32, #tpu.memory_space<vmem>>
      %dma_start3A_41 = arith.constant 0 : i32
      %dma_start3A_42 = arith.constant 0 : i32
      %dma_start3A_43 = tpu.memref_slice %arg9[%dma_start3A_41, %dma_start3A_42] : memref<10112x128xf32, #tpu.memory_space<vmem_shared>> -> memref<10112x128xf32, #tpu.memory_space<vmem_shared>>
      tpu.enqueue_indirect_dma source(%arg7 : memref<312x128xf32, #tpu.memory_space<vmem>>) target(%dma_start3A_43 : memref<10112x128xf32, #tpu.memory_space<vmem_shared>>) offsets(%dma_start3A_40 : memref<312xi32, #tpu.memory_space<vmem>>) semaphore(%arg8 : memref<!tpu.dma_semaphore, #tpu.memory_space<semaphore_mem>>) {add = true}
      %ge3A = arith.constant 8 : i32
      %ge3A_44 = arith.cmpi sge, %scan3A_37, %ge3A : i32
      %convert_element_type3A = arith.extui %ge3A_44 : i1 to i32
      %cond3A = arith.constant 0 : i32
      %cond3A_45 = arith.cmpi ne, %convert_element_type3A, %cond3A : i32
      scf.if %cond3A_45 {
        %sub3A = arith.constant 8 : i32
        %sub3A_46 = arith.subi %scan3A_37, %sub3A : i32
        %mul3A_47 = arith.constant 312 : i32
        %mul3A_48 = arith.muli %sub3A_46, %mul3A_47 : i32
        %dma_wait3A_49 = tpu.memref_slice %arg6[%mul3A_48] : memref<10000xi32, #tpu.memory_space<vmem>> -> memref<312xi32, #tpu.memory_space<vmem>>
        %dma_wait3A_50 = arith.constant 0 : i32
        %dma_wait3A_51 = arith.constant 0 : i32
        %dma_wait3A_52 = tpu.memref_slice %arg9[%dma_wait3A_50, %dma_wait3A_51] : memref<10112x128xf32, #tpu.memory_space<vmem_shared>> -> memref<10112x128xf32, #tpu.memory_space<vmem_shared>>
        tpu.wait_indirect_dma semaphore(%arg8 : memref<!tpu.dma_semaphore, #tpu.memory_space<semaphore_mem>>) src(%arg7 : memref<312x128xf32, #tpu.memory_space<vmem>>) dst(%dma_wait3A_52 : memref<10112x128xf32, #tpu.memory_space<vmem_shared>>)
      } else {
      }
    }
    %scan3A_11 = arith.constant 32 : i32
    %dma_start3A = arith.constant 0 : i32
    %dma_start3A_12 = arith.constant 0 : i32
    %dma_start3A_13 = tpu.memref_slice %arg7[%dma_start3A, %dma_start3A_12] : memref<312x128xf32, #tpu.memory_space<vmem>> -> memref<16x128xf32, #tpu.memory_space<vmem>>
    %dma_start3A_14 = arith.constant 9984 : i32
    %dma_start3A_15 = tpu.memref_slice %arg6[%dma_start3A_14] : memref<10000xi32, #tpu.memory_space<vmem>> -> memref<16xi32, #tpu.memory_space<vmem>>
    %dma_start3A_16 = arith.constant 0 : i32
    %dma_start3A_17 = arith.constant 0 : i32
    %dma_start3A_18 = tpu.memref_slice %arg9[%dma_start3A_16, %dma_start3A_17] : memref<10112x128xf32, #tpu.memory_space<vmem_shared>> -> memref<10112x128xf32, #tpu.memory_space<vmem_shared>>
    tpu.enqueue_indirect_dma source(%dma_start3A_13 : memref<16x128xf32, #tpu.memory_space<vmem>>) target(%dma_start3A_18 : memref<10112x128xf32, #tpu.memory_space<vmem_shared>>) offsets(%dma_start3A_15 : memref<16xi32, #tpu.memory_space<vmem>>) semaphore(%arg8 : memref<!tpu.dma_semaphore, #tpu.memory_space<semaphore_mem>>) {add = true}
    %scan3A_19 = arith.constant 0 : i32
    %scan3A_20 = arith.constant 24 : i32
    %scan3A_21 = arith.constant 8 : i32
    %scan3A_22 = arith.addi %scan3A_20, %scan3A_21 : i32
    %scan3A_23 = arith.constant 1 : i32
    scf.for %scan3A_37 = %scan3A_20 to %scan3A_22 step %scan3A_23  : i32 {
      %mul3A_38 = arith.constant 312 : i32
      %mul3A_39 = arith.muli %scan3A_37, %mul3A_38 : i32
      %dma_wait3A_40 = tpu.memref_slice %arg6[%mul3A_39] : memref<10000xi32, #tpu.memory_space<vmem>> -> memref<312xi32, #tpu.memory_space<vmem>>
      %dma_wait3A_41 = arith.constant 0 : i32
      %dma_wait3A_42 = arith.constant 0 : i32
      %dma_wait3A_43 = tpu.memref_slice %arg9[%dma_wait3A_41, %dma_wait3A_42] : memref<10112x128xf32, #tpu.memory_space<vmem_shared>> -> memref<10112x128xf32, #tpu.memory_space<vmem_shared>>
      tpu.wait_indirect_dma semaphore(%arg8 : memref<!tpu.dma_semaphore, #tpu.memory_space<semaphore_mem>>) src(%arg7 : memref<312x128xf32, #tpu.memory_space<vmem>>) dst(%dma_wait3A_43 : memref<10112x128xf32, #tpu.memory_space<vmem_shared>>)
    }
    %scan3A_24 = arith.constant 8 : i32
    %dma_wait3A = arith.constant 0 : i32
    %dma_wait3A_25 = arith.constant 0 : i32
    %dma_wait3A_26 = tpu.memref_slice %arg7[%dma_wait3A, %dma_wait3A_25] : memref<312x128xf32, #tpu.memory_space<vmem>> -> memref<16x128xf32, #tpu.memory_space<vmem>>
    %dma_wait3A_27 = arith.constant 9984 : i32
    %dma_wait3A_28 = tpu.memref_slice %arg6[%dma_wait3A_27] : memref<10000xi32, #tpu.memory_space<vmem>> -> memref<16xi32, #tpu.memory_space<vmem>>
    %dma_wait3A_29 = arith.constant 0 : i32
    %dma_wait3A_30 = arith.constant 0 : i32
    %dma_wait3A_31 = tpu.memref_slice %arg9[%dma_wait3A_29, %dma_wait3A_30] : memref<10112x128xf32, #tpu.memory_space<vmem_shared>> -> memref<10112x128xf32, #tpu.memory_space<vmem_shared>>
    tpu.wait_indirect_dma semaphore(%arg8 : memref<!tpu.dma_semaphore, #tpu.memory_space<semaphore_mem>>) src(%dma_wait3A_26 : memref<16x128xf32, #tpu.memory_space<vmem>>) dst(%dma_wait3A_31 : memref<10112x128xf32, #tpu.memory_space<vmem_shared>>)
    %barrier3A_32 = arith.constant 0 : index
    tpu.barrier barrier_id(%barrier3A_32)
    %mul3A_33 = arith.constant 632 : i32
    %mul3A_34 = arith.muli %arg1, %mul3A_33 : i32
    %mul3A_35 = arith.constant 632 : i32
    %mul3A_36 = arith.muli %arg1, %mul3A_35 : i32
    "tpu.region"() ({
      %run_scoped3A = tpu.sem_alloc : memref<!tpu.dma_semaphore, #tpu.memory_space<semaphore_mem>>
      %dma_start3A_37 = arith.constant 0 : i32
      %dma_start3A_38 = tpu.memref_slice %arg5[%arg0, %mul3A_36, %dma_start3A_37] : memref<2x10112x128xf32, #tpu.memory_space<hbm>> -> memref<1x632x128xf32, #tpu.memory_space<hbm>>
      %dma_start3A_39 = tpu.memref_squeeze %dma_start3A_38 : memref<1x632x128xf32, #tpu.memory_space<hbm>> -> memref<632x128xf32, #tpu.memory_space<hbm>>
      %dma_start3A_40 = arith.constant 0 : i32
      %dma_start3A_41 = tpu.memref_slice %arg9[%mul3A_34, %dma_start3A_40] : memref<10112x128xf32, #tpu.memory_space<vmem_shared>> -> memref<632x128xf32, #tpu.memory_space<vmem_shared>>
      tpu.enqueue_dma source(%dma_start3A_41 : memref<632x128xf32, #tpu.memory_space<vmem_shared>>) target(%dma_start3A_39 : memref<632x128xf32, #tpu.memory_space<hbm>>) target_semaphore(%run_scoped3A : memref<!tpu.dma_semaphore, #tpu.memory_space<semaphore_mem>>)
      %dma_wait3A_42 = arith.constant 0 : i32
      %dma_wait3A_43 = tpu.memref_slice %arg5[%arg0, %mul3A_36, %dma_wait3A_42] : memref<2x10112x128xf32, #tpu.memory_space<hbm>> -> memref<1x632x128xf32, #tpu.memory_space<hbm>>
      %dma_wait3A_44 = tpu.memref_squeeze %dma_wait3A_43 : memref<1x632x128xf32, #tpu.memory_space<hbm>> -> memref<632x128xf32, #tpu.memory_space<hbm>>
      %dma_wait3A_45 = arith.constant 0 : i32
      %dma_wait3A_46 = tpu.memref_slice %arg9[%mul3A_34, %dma_wait3A_45] : memref<10112x128xf32, #tpu.memory_space<vmem_shared>> -> memref<632x128xf32, #tpu.memory_space<vmem_shared>>
      tpu.wait_dma2 semaphore(%run_scoped3A : memref<!tpu.dma_semaphore, #tpu.memory_space<semaphore_mem>>) src(%dma_wait3A_46 : memref<632x128xf32, #tpu.memory_space<vmem_shared>>) dst(%dma_wait3A_44 : memref<632x128xf32, #tpu.memory_space<hbm>>)
      tpu.yield
    }) : () -> ()
    return
  }
}

#map = affine_map<(d0, d1) -> (0, 0)>
#map1 = affine_map<(d0, d1) -> (0)>
#map2 = affine_map<(d0, d1) -> (0, 0, 0)>
module attributes {stable_mosaic.version = 14 : i64} {
  func.func @real_body(%arg0: i32, %arg1: i32, %arg2: memref<40000x128xf32, #tpu.memory_space<hbm>>, %arg3: memref<160000xi32, #tpu.memory_space<hbm>>, %arg4: memref<160000xi32, #tpu.memory_space<hbm>>, %arg5: memref<10112x128xf32, #tpu.memory_space<hbm>>, %arg6: memref<4x10112x128xf32, #tpu.memory_space<hbm>>, %arg7: memref<10000xi32, #tpu.memory_space<vmem>>, %arg8: memref<10000xi32, #tpu.memory_space<vmem>>, %arg9: memref<2x112x128xf32, #tpu.memory_space<vmem>>, %arg10: memref<!tpu.dma_semaphore, #tpu.memory_space<semaphore_mem>>, %arg11: memref<!tpu.dma_semaphore, #tpu.memory_space<semaphore_mem>>, %arg12: memref<10112x128xf32, #tpu.memory_space<vmem_shared>>) attributes {dimension_semantics = [#tpu.dimension_semantics<core_parallel>, #tpu.dimension_semantics<subcore_parallel>], iteration_bounds = array<i64: 2, 16>, scalar_prefetch = 0 : i64, scratch_operands = 6 : i64, tpu.core_type = #tpu.core_type<sc_vector_subcore>, window_params = [{transform_indices = #map}, {transform_indices = #map1}, {transform_indices = #map1}, {transform_indices = #map}, {transform_indices = #map2}]} {
    %mul3A = arith.constant 10000 : i32
    %mul3A_0 = arith.muli %arg1, %mul3A : i32
    "tpu.region"() ({
      %run_scoped3A_99 = tpu.sem_alloc : memref<!tpu.dma_semaphore, #tpu.memory_space<semaphore_mem>>
      %dma_start3A_100 = tpu.memref_slice %arg3[%mul3A_0] : memref<160000xi32, #tpu.memory_space<hbm>> -> memref<10000xi32, #tpu.memory_space<hbm>>
      %dma_start3A_101 = tpu.memref_slice %arg3[%mul3A_0] : memref<160000xi32, #tpu.memory_space<hbm>> -> memref<10000xi32, #tpu.memory_space<hbm>>
      tpu.enqueue_dma source(%dma_start3A_101 : memref<10000xi32, #tpu.memory_space<hbm>>) target(%arg7 : memref<10000xi32, #tpu.memory_space<vmem>>) target_semaphore(%run_scoped3A_99 : memref<!tpu.dma_semaphore, #tpu.memory_space<semaphore_mem>>)
      %dma_wait3A_102 = tpu.memref_slice %arg3[%mul3A_0] : memref<160000xi32, #tpu.memory_space<hbm>> -> memref<10000xi32, #tpu.memory_space<hbm>>
      %dma_wait3A_103 = tpu.memref_slice %arg3[%mul3A_0] : memref<160000xi32, #tpu.memory_space<hbm>> -> memref<10000xi32, #tpu.memory_space<hbm>>
      tpu.wait_dma2 semaphore(%run_scoped3A_99 : memref<!tpu.dma_semaphore, #tpu.memory_space<semaphore_mem>>) src(%dma_wait3A_103 : memref<10000xi32, #tpu.memory_space<hbm>>) dst(%arg7 : memref<10000xi32, #tpu.memory_space<vmem>>)
      tpu.yield
    }) : () -> ()
    %mul3A_1 = arith.constant 10000 : i32
    %mul3A_2 = arith.muli %arg1, %mul3A_1 : i32
    "tpu.region"() ({
      %run_scoped3A_99 = tpu.sem_alloc : memref<!tpu.dma_semaphore, #tpu.memory_space<semaphore_mem>>
      %dma_start3A_100 = tpu.memref_slice %arg4[%mul3A_2] : memref<160000xi32, #tpu.memory_space<hbm>> -> memref<10000xi32, #tpu.memory_space<hbm>>
      %dma_start3A_101 = tpu.memref_slice %arg4[%mul3A_2] : memref<160000xi32, #tpu.memory_space<hbm>> -> memref<10000xi32, #tpu.memory_space<hbm>>
      tpu.enqueue_dma source(%dma_start3A_101 : memref<10000xi32, #tpu.memory_space<hbm>>) target(%arg8 : memref<10000xi32, #tpu.memory_space<vmem>>) target_semaphore(%run_scoped3A_99 : memref<!tpu.dma_semaphore, #tpu.memory_space<semaphore_mem>>)
      %dma_wait3A_102 = tpu.memref_slice %arg4[%mul3A_2] : memref<160000xi32, #tpu.memory_space<hbm>> -> memref<10000xi32, #tpu.memory_space<hbm>>
      %dma_wait3A_103 = tpu.memref_slice %arg4[%mul3A_2] : memref<160000xi32, #tpu.memory_space<hbm>> -> memref<10000xi32, #tpu.memory_space<hbm>>
      tpu.wait_dma2 semaphore(%run_scoped3A_99 : memref<!tpu.dma_semaphore, #tpu.memory_space<semaphore_mem>>) src(%dma_wait3A_103 : memref<10000xi32, #tpu.memory_space<hbm>>) dst(%arg8 : memref<10000xi32, #tpu.memory_space<vmem>>)
      tpu.yield
    }) : () -> ()
    %mul3A_3 = arith.constant 2 : i32
    %mul3A_4 = arith.muli %arg0, %mul3A_3 : i32
    %add3A = arith.constant 0 : i32
    %add3A_5 = arith.addi %mul3A_4, %add3A : i32
    %mul3A_6 = arith.constant 2 : i32
    %mul3A_7 = arith.muli %arg0, %mul3A_6 : i32
    %mul3A_8 = arith.constant 10000 : i32
    %mul3A_9 = arith.muli %mul3A_7, %mul3A_8 : i32
    %scan3A = arith.constant 0 : i32
    %scan3A_10 = arith.constant 0 : i32
    %scan3A_11 = arith.constant 625 : i32
    %scan3A_12 = arith.addi %scan3A_10, %scan3A_11 : i32
    %scan3A_13 = arith.constant 1 : i32
    scf.for %scan3A_99 = %scan3A_10 to %scan3A_12 step %scan3A_13  : i32 {
      %mul3A_100 = arith.constant 16 : i32
      %mul3A_101 = arith.muli %scan3A_99, %mul3A_100 : i32
      %get3A = arith.index_cast %mul3A_101 : i32 to index
      %get3A_102 = tpu.vector_load %arg7[%get3A] {strides = array<i32>} : memref<10000xi32, #tpu.memory_space<vmem>>, vector<16xi32>,
      %get3A_103 = vector.shape_cast %get3A_102 : vector<16xi32> to vector<16xi32>
      %add3A_104 = vector.broadcast %mul3A_9 : i32 to vector<16xi32>
      %add3A_105 = arith.addi %get3A_103, %add3A_104 : vector<16xi32>
      %mul3A_106 = arith.constant 16 : i32
      %mul3A_107 = arith.muli %scan3A_99, %mul3A_106 : i32
      %swap3A = arith.index_cast %mul3A_107 : i32 to index
      %swap3A_108 = tpu.vector_load %arg7[%swap3A] {strides = array<i32>} : memref<10000xi32, #tpu.memory_space<vmem>>, vector<16xi32>,
      %swap3A_109 = vector.shape_cast %swap3A_108 : vector<16xi32> to vector<16xi32>
      %swap3A_110 = vector.shape_cast %add3A_105 : vector<16xi32> to vector<16xi32>
      tpu.vector_store %arg7[%swap3A], %swap3A_110 {strides = array<i32>} : memref<10000xi32, #tpu.memory_space<vmem>>, vector<16xi32>,
    }
    %scan3A_14 = arith.constant 625 : i32
    %mul3A_15 = arith.constant 632 : i32
    %mul3A_16 = arith.muli %arg1, %mul3A_15 : i32
    %mul3A_17 = arith.constant 632 : i32
    %mul3A_18 = arith.muli %arg1, %mul3A_17 : i32
    "tpu.region"() ({
      %run_scoped3A_99 = tpu.sem_alloc : memref<!tpu.dma_semaphore, #tpu.memory_space<semaphore_mem>>
      %dma_start3A_100 = arith.constant 0 : i32
      %dma_start3A_101 = tpu.memref_slice %arg12[%mul3A_18, %dma_start3A_100] : memref<10112x128xf32, #tpu.memory_space<vmem_shared>> -> memref<632x128xf32, #tpu.memory_space<vmem_shared>>
      %dma_start3A_102 = arith.constant 0 : i32
      %dma_start3A_103 = tpu.memref_slice %arg5[%mul3A_16, %dma_start3A_102] : memref<10112x128xf32, #tpu.memory_space<hbm>> -> memref<632x128xf32, #tpu.memory_space<hbm>>
      tpu.enqueue_dma source(%dma_start3A_103 : memref<632x128xf32, #tpu.memory_space<hbm>>) target(%dma_start3A_101 : memref<632x128xf32, #tpu.memory_space<vmem_shared>>) target_semaphore(%run_scoped3A_99 : memref<!tpu.dma_semaphore, #tpu.memory_space<semaphore_mem>>)
      %dma_wait3A_104 = arith.constant 0 : i32
      %dma_wait3A_105 = tpu.memref_slice %arg12[%mul3A_18, %dma_wait3A_104] : memref<10112x128xf32, #tpu.memory_space<vmem_shared>> -> memref<632x128xf32, #tpu.memory_space<vmem_shared>>
      %dma_wait3A_106 = arith.constant 0 : i32
      %dma_wait3A_107 = tpu.memref_slice %arg5[%mul3A_16, %dma_wait3A_106] : memref<10112x128xf32, #tpu.memory_space<hbm>> -> memref<632x128xf32, #tpu.memory_space<hbm>>
      tpu.wait_dma2 semaphore(%run_scoped3A_99 : memref<!tpu.dma_semaphore, #tpu.memory_space<semaphore_mem>>) src(%dma_wait3A_107 : memref<632x128xf32, #tpu.memory_space<hbm>>) dst(%dma_wait3A_105 : memref<632x128xf32, #tpu.memory_space<vmem_shared>>)
      tpu.yield
    }) : () -> ()
    %barrier3A = arith.constant 0 : index
    tpu.barrier barrier_id(%barrier3A)
    %dma_start3A = arith.constant 0 : i32
    %dma_start3A_19 = arith.constant 0 : i32
    %dma_start3A_20 = arith.constant 0 : i32
    %dma_start3A_21 = tpu.memref_slice %arg9[%dma_start3A, %dma_start3A_19, %dma_start3A_20] : memref<2x112x128xf32, #tpu.memory_space<vmem>> -> memref<1x112x128xf32, #tpu.memory_space<vmem>>
    %dma_start3A_22 = tpu.memref_squeeze %dma_start3A_21 : memref<1x112x128xf32, #tpu.memory_space<vmem>> -> memref<112x128xf32, #tpu.memory_space<vmem>>
    %dma_start3A_23 = arith.constant 0 : i32
    %dma_start3A_24 = tpu.memref_slice %arg7[%dma_start3A_23] : memref<10000xi32, #tpu.memory_space<vmem>> -> memref<112xi32, #tpu.memory_space<vmem>>
    %dma_start3A_25 = arith.constant 0 : i32
    %dma_start3A_26 = arith.constant 0 : i32
    %dma_start3A_27 = tpu.memref_slice %arg2[%dma_start3A_25, %dma_start3A_26] : memref<40000x128xf32, #tpu.memory_space<hbm>> -> memref<40000x128xf32, #tpu.memory_space<hbm>>
    tpu.enqueue_indirect_dma source(%dma_start3A_27 : memref<40000x128xf32, #tpu.memory_space<hbm>>) target(%dma_start3A_22 : memref<112x128xf32, #tpu.memory_space<vmem>>) offsets(%dma_start3A_24 : memref<112xi32, #tpu.memory_space<vmem>>) semaphore(%arg10 : memref<!tpu.dma_semaphore, #tpu.memory_space<semaphore_mem>>)
    %scan3A_28 = arith.constant 0 : i32
    %scan3A_29 = arith.constant 0 : i32
    %scan3A_30 = arith.constant 89 : i32
    %scan3A_31 = arith.addi %scan3A_29, %scan3A_30 : i32
    %scan3A_32 = arith.constant 1 : i32
    scf.for %scan3A_99 = %scan3A_29 to %scan3A_31 step %scan3A_32  : i32 {
      %rem3A = arith.constant 2 : i32
      %rem3A_100 = arith.remsi %scan3A_99, %rem3A : i32
      %mul3A_101 = arith.constant 112 : i32
      %mul3A_102 = arith.muli %scan3A_99, %mul3A_101 : i32
      %dma_wait3A_103 = arith.constant 0 : i32
      %dma_wait3A_104 = arith.constant 0 : i32
      %dma_wait3A_105 = tpu.memref_slice %arg9[%rem3A_100, %dma_wait3A_103, %dma_wait3A_104] : memref<2x112x128xf32, #tpu.memory_space<vmem>> -> memref<1x112x128xf32, #tpu.memory_space<vmem>>
      %dma_wait3A_106 = tpu.memref_squeeze %dma_wait3A_105 : memref<1x112x128xf32, #tpu.memory_space<vmem>> -> memref<112x128xf32, #tpu.memory_space<vmem>>
      %dma_wait3A_107 = tpu.memref_slice %arg7[%mul3A_102] : memref<10000xi32, #tpu.memory_space<vmem>> -> memref<112xi32, #tpu.memory_space<vmem>>
      %dma_wait3A_108 = arith.constant 0 : i32
      %dma_wait3A_109 = arith.constant 0 : i32
      %dma_wait3A_110 = tpu.memref_slice %arg2[%dma_wait3A_108, %dma_wait3A_109] : memref<40000x128xf32, #tpu.memory_space<hbm>> -> memref<40000x128xf32, #tpu.memory_space<hbm>>
      tpu.wait_indirect_dma semaphore(%arg10 : memref<!tpu.dma_semaphore, #tpu.memory_space<semaphore_mem>>) src(%dma_wait3A_110 : memref<40000x128xf32, #tpu.memory_space<hbm>>) dst(%dma_wait3A_106 : memref<112x128xf32, #tpu.memory_space<vmem>>)
      %mul3A_111 = arith.constant 112 : i32
      %mul3A_112 = arith.muli %scan3A_99, %mul3A_111 : i32
      %dma_start3A_113 = arith.constant 0 : i32
      %dma_start3A_114 = arith.constant 0 : i32
      %dma_start3A_115 = tpu.memref_slice %arg9[%rem3A_100, %dma_start3A_113, %dma_start3A_114] : memref<2x112x128xf32, #tpu.memory_space<vmem>> -> memref<1x112x128xf32, #tpu.memory_space<vmem>>
      %dma_start3A_116 = tpu.memref_squeeze %dma_start3A_115 : memref<1x112x128xf32, #tpu.memory_space<vmem>> -> memref<112x128xf32, #tpu.memory_space<vmem>>
      %dma_start3A_117 = tpu.memref_slice %arg8[%mul3A_112] : memref<10000xi32, #tpu.memory_space<vmem>> -> memref<112xi32, #tpu.memory_space<vmem>>
      %dma_start3A_118 = arith.constant 0 : i32
      %dma_start3A_119 = arith.constant 0 : i32
      %dma_start3A_120 = tpu.memref_slice %arg12[%dma_start3A_118, %dma_start3A_119] : memref<10112x128xf32, #tpu.memory_space<vmem_shared>> -> memref<10112x128xf32, #tpu.memory_space<vmem_shared>>
      tpu.enqueue_indirect_dma source(%dma_start3A_116 : memref<112x128xf32, #tpu.memory_space<vmem>>) target(%dma_start3A_120 : memref<10112x128xf32, #tpu.memory_space<vmem_shared>>) offsets(%dma_start3A_117 : memref<112xi32, #tpu.memory_space<vmem>>) semaphore(%arg11 : memref<!tpu.dma_semaphore, #tpu.memory_space<semaphore_mem>>) {add = true}
      %ge3A = arith.constant 1 : i32
      %ge3A_121 = arith.cmpi sge, %scan3A_99, %ge3A : i32
      %convert_element_type3A = arith.extui %ge3A_121 : i1 to i32
      %cond3A = arith.constant 0 : i32
      %cond3A_122 = arith.cmpi ne, %convert_element_type3A, %cond3A : i32
      scf.if %cond3A_122 {
        %sub3A = arith.constant 1 : i32
        %sub3A_129 = arith.subi %sub3A, %rem3A_100 : i32
        %sub3A_130 = arith.constant 1 : i32
        %sub3A_131 = arith.subi %scan3A_99, %sub3A_130 : i32
        %mul3A_132 = arith.constant 112 : i32
        %mul3A_133 = arith.muli %sub3A_131, %mul3A_132 : i32
        %dma_wait3A_134 = arith.constant 0 : i32
        %dma_wait3A_135 = arith.constant 0 : i32
        %dma_wait3A_136 = tpu.memref_slice %arg9[%sub3A_129, %dma_wait3A_134, %dma_wait3A_135] : memref<2x112x128xf32, #tpu.memory_space<vmem>> -> memref<1x112x128xf32, #tpu.memory_space<vmem>>
        %dma_wait3A_137 = tpu.memref_squeeze %dma_wait3A_136 : memref<1x112x128xf32, #tpu.memory_space<vmem>> -> memref<112x128xf32, #tpu.memory_space<vmem>>
        %dma_wait3A_138 = tpu.memref_slice %arg8[%mul3A_133] : memref<10000xi32, #tpu.memory_space<vmem>> -> memref<112xi32, #tpu.memory_space<vmem>>
        %dma_wait3A_139 = arith.constant 0 : i32
        %dma_wait3A_140 = arith.constant 0 : i32
        %dma_wait3A_141 = tpu.memref_slice %arg12[%dma_wait3A_139, %dma_wait3A_140] : memref<10112x128xf32, #tpu.memory_space<vmem_shared>> -> memref<10112x128xf32, #tpu.memory_space<vmem_shared>>
        tpu.wait_indirect_dma semaphore(%arg11 : memref<!tpu.dma_semaphore, #tpu.memory_space<semaphore_mem>>) src(%dma_wait3A_137 : memref<112x128xf32, #tpu.memory_space<vmem>>) dst(%dma_wait3A_141 : memref<10112x128xf32, #tpu.memory_space<vmem_shared>>)
      } else {
      }
      %add3A_123 = arith.constant 1 : i32
      %add3A_124 = arith.addi %scan3A_99, %add3A_123 : i32
      %lt3A = arith.constant 89 : i32
      %lt3A_125 = arith.cmpi slt, %add3A_124, %lt3A : i32
      %convert_element_type3A_126 = arith.extui %lt3A_125 : i1 to i32
      %cond3A_127 = arith.constant 0 : i32
      %cond3A_128 = arith.cmpi ne, %convert_element_type3A_126, %cond3A_127 : i32
      scf.if %cond3A_128 {
        %add3A_129 = arith.constant 1 : i32
        %add3A_130 = arith.addi %scan3A_99, %add3A_129 : i32
        %mul3A_131 = arith.constant 112 : i32
        %mul3A_132 = arith.muli %add3A_130, %mul3A_131 : i32
        %sub3A = arith.constant 1 : i32
        %sub3A_133 = arith.subi %sub3A, %rem3A_100 : i32
        %dma_start3A_134 = arith.constant 0 : i32
        %dma_start3A_135 = arith.constant 0 : i32
        %dma_start3A_136 = tpu.memref_slice %arg9[%sub3A_133, %dma_start3A_134, %dma_start3A_135] : memref<2x112x128xf32, #tpu.memory_space<vmem>> -> memref<1x112x128xf32, #tpu.memory_space<vmem>>
        %dma_start3A_137 = tpu.memref_squeeze %dma_start3A_136 : memref<1x112x128xf32, #tpu.memory_space<vmem>> -> memref<112x128xf32, #tpu.memory_space<vmem>>
        %dma_start3A_138 = tpu.memref_slice %arg7[%mul3A_132] : memref<10000xi32, #tpu.memory_space<vmem>> -> memref<112xi32, #tpu.memory_space<vmem>>
        %dma_start3A_139 = arith.constant 0 : i32
        %dma_start3A_140 = arith.constant 0 : i32
        %dma_start3A_141 = tpu.memref_slice %arg2[%dma_start3A_139, %dma_start3A_140] : memref<40000x128xf32, #tpu.memory_space<hbm>> -> memref<40000x128xf32, #tpu.memory_space<hbm>>
        tpu.enqueue_indirect_dma source(%dma_start3A_141 : memref<40000x128xf32, #tpu.memory_space<hbm>>) target(%dma_start3A_137 : memref<112x128xf32, #tpu.memory_space<vmem>>) offsets(%dma_start3A_138 : memref<112xi32, #tpu.memory_space<vmem>>) semaphore(%arg10 : memref<!tpu.dma_semaphore, #tpu.memory_space<semaphore_mem>>)
      } else {
      }
    }
    %scan3A_33 = arith.constant 89 : i32
    %dma_wait3A = arith.constant 0 : i32
    %dma_wait3A_34 = arith.constant 0 : i32
    %dma_wait3A_35 = arith.constant 0 : i32
    %dma_wait3A_36 = tpu.memref_slice %arg9[%dma_wait3A, %dma_wait3A_34, %dma_wait3A_35] : memref<2x112x128xf32, #tpu.memory_space<vmem>> -> memref<1x112x128xf32, #tpu.memory_space<vmem>>
    %dma_wait3A_37 = tpu.memref_squeeze %dma_wait3A_36 : memref<1x112x128xf32, #tpu.memory_space<vmem>> -> memref<112x128xf32, #tpu.memory_space<vmem>>
    %dma_wait3A_38 = arith.constant 9856 : i32
    %dma_wait3A_39 = tpu.memref_slice %arg8[%dma_wait3A_38] : memref<10000xi32, #tpu.memory_space<vmem>> -> memref<112xi32, #tpu.memory_space<vmem>>
    %dma_wait3A_40 = arith.constant 0 : i32
    %dma_wait3A_41 = arith.constant 0 : i32
    %dma_wait3A_42 = tpu.memref_slice %arg12[%dma_wait3A_40, %dma_wait3A_41] : memref<10112x128xf32, #tpu.memory_space<vmem_shared>> -> memref<10112x128xf32, #tpu.memory_space<vmem_shared>>
    tpu.wait_indirect_dma semaphore(%arg11 : memref<!tpu.dma_semaphore, #tpu.memory_space<semaphore_mem>>) src(%dma_wait3A_37 : memref<112x128xf32, #tpu.memory_space<vmem>>) dst(%dma_wait3A_42 : memref<10112x128xf32, #tpu.memory_space<vmem_shared>>)
    %run_scoped3A = arith.constant 0 : i32
    "tpu.region"() ({
      %run_scoped3A_99 = tpu.sem_alloc : memref<!tpu.dma_semaphore, #tpu.memory_space<semaphore_mem>>
      %dma_start3A_100 = arith.constant 0 : i32
      %dma_start3A_101 = arith.constant 0 : i32
      %dma_start3A_102 = tpu.memref_slice %arg9[%run_scoped3A, %dma_start3A_100, %dma_start3A_101] : memref<2x112x128xf32, #tpu.memory_space<vmem>> -> memref<1x32x128xf32, #tpu.memory_space<vmem>>
      %dma_start3A_103 = tpu.memref_squeeze %dma_start3A_102 : memref<1x32x128xf32, #tpu.memory_space<vmem>> -> memref<32x128xf32, #tpu.memory_space<vmem>>
      %dma_start3A_104 = arith.constant 9968 : i32
      %dma_start3A_105 = tpu.memref_slice %arg7[%dma_start3A_104] : memref<10000xi32, #tpu.memory_space<vmem>> -> memref<32xi32, #tpu.memory_space<vmem>>
      %dma_start3A_106 = arith.constant 0 : i32
      %dma_start3A_107 = arith.constant 0 : i32
      %dma_start3A_108 = tpu.memref_slice %arg2[%dma_start3A_106, %dma_start3A_107] : memref<40000x128xf32, #tpu.memory_space<hbm>> -> memref<40000x128xf32, #tpu.memory_space<hbm>>
      tpu.enqueue_indirect_dma source(%dma_start3A_108 : memref<40000x128xf32, #tpu.memory_space<hbm>>) target(%dma_start3A_103 : memref<32x128xf32, #tpu.memory_space<vmem>>) offsets(%dma_start3A_105 : memref<32xi32, #tpu.memory_space<vmem>>) semaphore(%run_scoped3A_99 : memref<!tpu.dma_semaphore, #tpu.memory_space<semaphore_mem>>)
      %dma_wait3A_109 = arith.constant 0 : i32
      %dma_wait3A_110 = arith.constant 0 : i32
      %dma_wait3A_111 = tpu.memref_slice %arg9[%run_scoped3A, %dma_wait3A_109, %dma_wait3A_110] : memref<2x112x128xf32, #tpu.memory_space<vmem>> -> memref<1x32x128xf32, #tpu.memory_space<vmem>>
      %dma_wait3A_112 = tpu.memref_squeeze %dma_wait3A_111 : memref<1x32x128xf32, #tpu.memory_space<vmem>> -> memref<32x128xf32, #tpu.memory_space<vmem>>
      %dma_wait3A_113 = arith.constant 9968 : i32
      %dma_wait3A_114 = tpu.memref_slice %arg7[%dma_wait3A_113] : memref<10000xi32, #tpu.memory_space<vmem>> -> memref<32xi32, #tpu.memory_space<vmem>>
      %dma_wait3A_115 = arith.constant 0 : i32
      %dma_wait3A_116 = arith.constant 0 : i32
      %dma_wait3A_117 = tpu.memref_slice %arg2[%dma_wait3A_115, %dma_wait3A_116] : memref<40000x128xf32, #tpu.memory_space<hbm>> -> memref<40000x128xf32, #tpu.memory_space<hbm>>
      tpu.wait_indirect_dma semaphore(%run_scoped3A_99 : memref<!tpu.dma_semaphore, #tpu.memory_space<semaphore_mem>>) src(%dma_wait3A_117 : memref<40000x128xf32, #tpu.memory_space<hbm>>) dst(%dma_wait3A_112 : memref<32x128xf32, #tpu.memory_space<vmem>>)
      tpu.yield
    }) : () -> ()
    %run_scoped3A_43 = arith.constant 0 : i32
    "tpu.region"() ({
      %run_scoped3A_99 = tpu.sem_alloc : memref<!tpu.dma_semaphore, #tpu.memory_space<semaphore_mem>>
      %dma_start3A_100 = arith.constant 0 : i32
      %dma_start3A_101 = arith.constant 0 : i32
      %dma_start3A_102 = tpu.memref_slice %arg9[%run_scoped3A_43, %dma_start3A_100, %dma_start3A_101] : memref<2x112x128xf32, #tpu.memory_space<vmem>> -> memref<1x32x128xf32, #tpu.memory_space<vmem>>
      %dma_start3A_103 = tpu.memref_squeeze %dma_start3A_102 : memref<1x32x128xf32, #tpu.memory_space<vmem>> -> memref<32x128xf32, #tpu.memory_space<vmem>>
      %dma_start3A_104 = arith.constant 9968 : i32
      %dma_start3A_105 = tpu.memref_slice %arg8[%dma_start3A_104] : memref<10000xi32, #tpu.memory_space<vmem>> -> memref<32xi32, #tpu.memory_space<vmem>>
      %dma_start3A_106 = arith.constant 0 : i32
      %dma_start3A_107 = arith.constant 0 : i32
      %dma_start3A_108 = tpu.memref_slice %arg12[%dma_start3A_106, %dma_start3A_107] : memref<10112x128xf32, #tpu.memory_space<vmem_shared>> -> memref<10112x128xf32, #tpu.memory_space<vmem_shared>>
      tpu.enqueue_indirect_dma source(%dma_start3A_103 : memref<32x128xf32, #tpu.memory_space<vmem>>) target(%dma_start3A_108 : memref<10112x128xf32, #tpu.memory_space<vmem_shared>>) offsets(%dma_start3A_105 : memref<32xi32, #tpu.memory_space<vmem>>) semaphore(%run_scoped3A_99 : memref<!tpu.dma_semaphore, #tpu.memory_space<semaphore_mem>>) {add = true}
      %dma_wait3A_109 = arith.constant 0 : i32
      %dma_wait3A_110 = arith.constant 0 : i32
      %dma_wait3A_111 = tpu.memref_slice %arg9[%run_scoped3A_43, %dma_wait3A_109, %dma_wait3A_110] : memref<2x112x128xf32, #tpu.memory_space<vmem>> -> memref<1x32x128xf32, #tpu.memory_space<vmem>>
      %dma_wait3A_112 = tpu.memref_squeeze %dma_wait3A_111 : memref<1x32x128xf32, #tpu.memory_space<vmem>> -> memref<32x128xf32, #tpu.memory_space<vmem>>
      %dma_wait3A_113 = arith.constant 9968 : i32
      %dma_wait3A_114 = tpu.memref_slice %arg8[%dma_wait3A_113] : memref<10000xi32, #tpu.memory_space<vmem>> -> memref<32xi32, #tpu.memory_space<vmem>>
      %dma_wait3A_115 = arith.constant 0 : i32
      %dma_wait3A_116 = arith.constant 0 : i32
      %dma_wait3A_117 = tpu.memref_slice %arg12[%dma_wait3A_115, %dma_wait3A_116] : memref<10112x128xf32, #tpu.memory_space<vmem_shared>> -> memref<10112x128xf32, #tpu.memory_space<vmem_shared>>
      tpu.wait_indirect_dma semaphore(%run_scoped3A_99 : memref<!tpu.dma_semaphore, #tpu.memory_space<semaphore_mem>>) src(%dma_wait3A_112 : memref<32x128xf32, #tpu.memory_space<vmem>>) dst(%dma_wait3A_117 : memref<10112x128xf32, #tpu.memory_space<vmem_shared>>)
      tpu.yield
    }) : () -> ()
    %barrier3A_44 = arith.constant 0 : index
    tpu.barrier barrier_id(%barrier3A_44)
    %mul3A_45 = arith.constant 632 : i32
    %mul3A_46 = arith.muli %arg1, %mul3A_45 : i32
    %mul3A_47 = arith.constant 632 : i32
    %mul3A_48 = arith.muli %arg1, %mul3A_47 : i32
    "tpu.region"() ({
      %run_scoped3A_99 = tpu.sem_alloc : memref<!tpu.dma_semaphore, #tpu.memory_space<semaphore_mem>>
      %dma_start3A_100 = arith.constant 0 : i32
      %dma_start3A_101 = tpu.memref_slice %arg6[%add3A_5, %mul3A_48, %dma_start3A_100] : memref<4x10112x128xf32, #tpu.memory_space<hbm>> -> memref<1x632x128xf32, #tpu.memory_space<hbm>>
      %dma_start3A_102 = tpu.memref_squeeze %dma_start3A_101 : memref<1x632x128xf32, #tpu.memory_space<hbm>> -> memref<632x128xf32, #tpu.memory_space<hbm>>
      %dma_start3A_103 = arith.constant 0 : i32
      %dma_start3A_104 = tpu.memref_slice %arg12[%mul3A_46, %dma_start3A_103] : memref<10112x128xf32, #tpu.memory_space<vmem_shared>> -> memref<632x128xf32, #tpu.memory_space<vmem_shared>>
      tpu.enqueue_dma source(%dma_start3A_104 : memref<632x128xf32, #tpu.memory_space<vmem_shared>>) target(%dma_start3A_102 : memref<632x128xf32, #tpu.memory_space<hbm>>) target_semaphore(%run_scoped3A_99 : memref<!tpu.dma_semaphore, #tpu.memory_space<semaphore_mem>>)
      %dma_wait3A_105 = arith.constant 0 : i32
      %dma_wait3A_106 = tpu.memref_slice %arg6[%add3A_5, %mul3A_48, %dma_wait3A_105] : memref<4x10112x128xf32, #tpu.memory_space<hbm>> -> memref<1x632x128xf32, #tpu.memory_space<hbm>>
      %dma_wait3A_107 = tpu.memref_squeeze %dma_wait3A_106 : memref<1x632x128xf32, #tpu.memory_space<hbm>> -> memref<632x128xf32, #tpu.memory_space<hbm>>
      %dma_wait3A_108 = arith.constant 0 : i32
      %dma_wait3A_109 = tpu.memref_slice %arg12[%mul3A_46, %dma_wait3A_108] : memref<10112x128xf32, #tpu.memory_space<vmem_shared>> -> memref<632x128xf32, #tpu.memory_space<vmem_shared>>
      tpu.wait_dma2 semaphore(%run_scoped3A_99 : memref<!tpu.dma_semaphore, #tpu.memory_space<semaphore_mem>>) src(%dma_wait3A_109 : memref<632x128xf32, #tpu.memory_space<vmem_shared>>) dst(%dma_wait3A_107 : memref<632x128xf32, #tpu.memory_space<hbm>>)
      tpu.yield
    }) : () -> ()
    %barrier3A_49 = arith.constant 0 : index
    tpu.barrier barrier_id(%barrier3A_49)
    %mul3A_50 = arith.constant 2 : i32
    %mul3A_51 = arith.muli %arg0, %mul3A_50 : i32
    %add3A_52 = arith.constant 1 : i32
    %add3A_53 = arith.addi %mul3A_51, %add3A_52 : i32
    %scan3A_54 = arith.constant 0 : i32
    %scan3A_55 = arith.constant 0 : i32
    %scan3A_56 = arith.constant 625 : i32
    %scan3A_57 = arith.addi %scan3A_55, %scan3A_56 : i32
    %scan3A_58 = arith.constant 1 : i32
    scf.for %scan3A_99 = %scan3A_55 to %scan3A_57 step %scan3A_58  : i32 {
      %mul3A_100 = arith.constant 16 : i32
      %mul3A_101 = arith.muli %scan3A_99, %mul3A_100 : i32
      %get3A = arith.index_cast %mul3A_101 : i32 to index
      %get3A_102 = tpu.vector_load %arg7[%get3A] {strides = array<i32>} : memref<10000xi32, #tpu.memory_space<vmem>>, vector<16xi32>,
      %get3A_103 = vector.shape_cast %get3A_102 : vector<16xi32> to vector<16xi32>
      %add3A_104 = arith.constant 10000 : i32
      %add3A_105 = vector.broadcast %add3A_104 : i32 to vector<16xi32>
      %add3A_106 = arith.addi %get3A_103, %add3A_105 : vector<16xi32>
      %mul3A_107 = arith.constant 16 : i32
      %mul3A_108 = arith.muli %scan3A_99, %mul3A_107 : i32
      %swap3A = arith.index_cast %mul3A_108 : i32 to index
      %swap3A_109 = tpu.vector_load %arg7[%swap3A] {strides = array<i32>} : memref<10000xi32, #tpu.memory_space<vmem>>, vector<16xi32>,
      %swap3A_110 = vector.shape_cast %swap3A_109 : vector<16xi32> to vector<16xi32>
      %swap3A_111 = vector.shape_cast %add3A_106 : vector<16xi32> to vector<16xi32>
      tpu.vector_store %arg7[%swap3A], %swap3A_111 {strides = array<i32>} : memref<10000xi32, #tpu.memory_space<vmem>>, vector<16xi32>,
    }
    %scan3A_59 = arith.constant 625 : i32
    %mul3A_60 = arith.constant 632 : i32
    %mul3A_61 = arith.muli %arg1, %mul3A_60 : i32
    %mul3A_62 = arith.constant 632 : i32
    %mul3A_63 = arith.muli %arg1, %mul3A_62 : i32
    "tpu.region"() ({
      %run_scoped3A_99 = tpu.sem_alloc : memref<!tpu.dma_semaphore, #tpu.memory_space<semaphore_mem>>
      %dma_start3A_100 = arith.constant 0 : i32
      %dma_start3A_101 = tpu.memref_slice %arg12[%mul3A_63, %dma_start3A_100] : memref<10112x128xf32, #tpu.memory_space<vmem_shared>> -> memref<632x128xf32, #tpu.memory_space<vmem_shared>>
      %dma_start3A_102 = arith.constant 0 : i32
      %dma_start3A_103 = tpu.memref_slice %arg5[%mul3A_61, %dma_start3A_102] : memref<10112x128xf32, #tpu.memory_space<hbm>> -> memref<632x128xf32, #tpu.memory_space<hbm>>
      tpu.enqueue_dma source(%dma_start3A_103 : memref<632x128xf32, #tpu.memory_space<hbm>>) target(%dma_start3A_101 : memref<632x128xf32, #tpu.memory_space<vmem_shared>>) target_semaphore(%run_scoped3A_99 : memref<!tpu.dma_semaphore, #tpu.memory_space<semaphore_mem>>)
      %dma_wait3A_104 = arith.constant 0 : i32
      %dma_wait3A_105 = tpu.memref_slice %arg12[%mul3A_63, %dma_wait3A_104] : memref<10112x128xf32, #tpu.memory_space<vmem_shared>> -> memref<632x128xf32, #tpu.memory_space<vmem_shared>>
      %dma_wait3A_106 = arith.constant 0 : i32
      %dma_wait3A_107 = tpu.memref_slice %arg5[%mul3A_61, %dma_wait3A_106] : memref<10112x128xf32, #tpu.memory_space<hbm>> -> memref<632x128xf32, #tpu.memory_space<hbm>>
      tpu.wait_dma2 semaphore(%run_scoped3A_99 : memref<!tpu.dma_semaphore, #tpu.memory_space<semaphore_mem>>) src(%dma_wait3A_107 : memref<632x128xf32, #tpu.memory_space<hbm>>) dst(%dma_wait3A_105 : memref<632x128xf32, #tpu.memory_space<vmem_shared>>)
      tpu.yield
    }) : () -> ()
    %barrier3A_64 = arith.constant 0 : index
    tpu.barrier barrier_id(%barrier3A_64)
    %dma_start3A_65 = arith.constant 0 : i32
    %dma_start3A_66 = arith.constant 0 : i32
    %dma_start3A_67 = arith.constant 0 : i32
    %dma_start3A_68 = tpu.memref_slice %arg9[%dma_start3A_65, %dma_start3A_66, %dma_start3A_67] : memref<2x112x128xf32, #tpu.memory_space<vmem>> -> memref<1x112x128xf32, #tpu.memory_space<vmem>>
    %dma_start3A_69 = tpu.memref_squeeze %dma_start3A_68 : memref<1x112x128xf32, #tpu.memory_space<vmem>> -> memref<112x128xf32, #tpu.memory_space<vmem>>
    %dma_start3A_70 = arith.constant 0 : i32
    %dma_start3A_71 = tpu.memref_slice %arg7[%dma_start3A_70] : memref<10000xi32, #tpu.memory_space<vmem>> -> memref<112xi32, #tpu.memory_space<vmem>>
    %dma_start3A_72 = arith.constant 0 : i32
    %dma_start3A_73 = arith.constant 0 : i32
    %dma_start3A_74 = tpu.memref_slice %arg2[%dma_start3A_72, %dma_start3A_73] : memref<40000x128xf32, #tpu.memory_space<hbm>> -> memref<40000x128xf32, #tpu.memory_space<hbm>>
    tpu.enqueue_indirect_dma source(%dma_start3A_74 : memref<40000x128xf32, #tpu.memory_space<hbm>>) target(%dma_start3A_69 : memref<112x128xf32, #tpu.memory_space<vmem>>) offsets(%dma_start3A_71 : memref<112xi32, #tpu.memory_space<vmem>>) semaphore(%arg10 : memref<!tpu.dma_semaphore, #tpu.memory_space<semaphore_mem>>)
    %scan3A_75 = arith.constant 0 : i32
    %scan3A_76 = arith.constant 0 : i32
    %scan3A_77 = arith.constant 89 : i32
    %scan3A_78 = arith.addi %scan3A_76, %scan3A_77 : i32
    %scan3A_79 = arith.constant 1 : i32
    scf.for %scan3A_99 = %scan3A_76 to %scan3A_78 step %scan3A_79  : i32 {
      %rem3A = arith.constant 2 : i32
      %rem3A_100 = arith.remsi %scan3A_99, %rem3A : i32
      %mul3A_101 = arith.constant 112 : i32
      %mul3A_102 = arith.muli %scan3A_99, %mul3A_101 : i32
      %dma_wait3A_103 = arith.constant 0 : i32
      %dma_wait3A_104 = arith.constant 0 : i32
      %dma_wait3A_105 = tpu.memref_slice %arg9[%rem3A_100, %dma_wait3A_103, %dma_wait3A_104] : memref<2x112x128xf32, #tpu.memory_space<vmem>> -> memref<1x112x128xf32, #tpu.memory_space<vmem>>
      %dma_wait3A_106 = tpu.memref_squeeze %dma_wait3A_105 : memref<1x112x128xf32, #tpu.memory_space<vmem>> -> memref<112x128xf32, #tpu.memory_space<vmem>>
      %dma_wait3A_107 = tpu.memref_slice %arg7[%mul3A_102] : memref<10000xi32, #tpu.memory_space<vmem>> -> memref<112xi32, #tpu.memory_space<vmem>>
      %dma_wait3A_108 = arith.constant 0 : i32
      %dma_wait3A_109 = arith.constant 0 : i32
      %dma_wait3A_110 = tpu.memref_slice %arg2[%dma_wait3A_108, %dma_wait3A_109] : memref<40000x128xf32, #tpu.memory_space<hbm>> -> memref<40000x128xf32, #tpu.memory_space<hbm>>
      tpu.wait_indirect_dma semaphore(%arg10 : memref<!tpu.dma_semaphore, #tpu.memory_space<semaphore_mem>>) src(%dma_wait3A_110 : memref<40000x128xf32, #tpu.memory_space<hbm>>) dst(%dma_wait3A_106 : memref<112x128xf32, #tpu.memory_space<vmem>>)
      %mul3A_111 = arith.constant 112 : i32
      %mul3A_112 = arith.muli %scan3A_99, %mul3A_111 : i32
      %dma_start3A_113 = arith.constant 0 : i32
      %dma_start3A_114 = arith.constant 0 : i32
      %dma_start3A_115 = tpu.memref_slice %arg9[%rem3A_100, %dma_start3A_113, %dma_start3A_114] : memref<2x112x128xf32, #tpu.memory_space<vmem>> -> memref<1x112x128xf32, #tpu.memory_space<vmem>>
      %dma_start3A_116 = tpu.memref_squeeze %dma_start3A_115 : memref<1x112x128xf32, #tpu.memory_space<vmem>> -> memref<112x128xf32, #tpu.memory_space<vmem>>
      %dma_start3A_117 = tpu.memref_slice %arg8[%mul3A_112] : memref<10000xi32, #tpu.memory_space<vmem>> -> memref<112xi32, #tpu.memory_space<vmem>>
      %dma_start3A_118 = arith.constant 0 : i32
      %dma_start3A_119 = arith.constant 0 : i32
      %dma_start3A_120 = tpu.memref_slice %arg12[%dma_start3A_118, %dma_start3A_119] : memref<10112x128xf32, #tpu.memory_space<vmem_shared>> -> memref<10112x128xf32, #tpu.memory_space<vmem_shared>>
      tpu.enqueue_indirect_dma source(%dma_start3A_116 : memref<112x128xf32, #tpu.memory_space<vmem>>) target(%dma_start3A_120 : memref<10112x128xf32, #tpu.memory_space<vmem_shared>>) offsets(%dma_start3A_117 : memref<112xi32, #tpu.memory_space<vmem>>) semaphore(%arg11 : memref<!tpu.dma_semaphore, #tpu.memory_space<semaphore_mem>>) {add = true}
      %ge3A = arith.constant 1 : i32
      %ge3A_121 = arith.cmpi sge, %scan3A_99, %ge3A : i32
      %convert_element_type3A = arith.extui %ge3A_121 : i1 to i32
      %cond3A = arith.constant 0 : i32
      %cond3A_122 = arith.cmpi ne, %convert_element_type3A, %cond3A : i32
      scf.if %cond3A_122 {
        %sub3A = arith.constant 1 : i32
        %sub3A_129 = arith.subi %sub3A, %rem3A_100 : i32
        %sub3A_130 = arith.constant 1 : i32
        %sub3A_131 = arith.subi %scan3A_99, %sub3A_130 : i32
        %mul3A_132 = arith.constant 112 : i32
        %mul3A_133 = arith.muli %sub3A_131, %mul3A_132 : i32
        %dma_wait3A_134 = arith.constant 0 : i32
        %dma_wait3A_135 = arith.constant 0 : i32
        %dma_wait3A_136 = tpu.memref_slice %arg9[%sub3A_129, %dma_wait3A_134, %dma_wait3A_135] : memref<2x112x128xf32, #tpu.memory_space<vmem>> -> memref<1x112x128xf32, #tpu.memory_space<vmem>>
        %dma_wait3A_137 = tpu.memref_squeeze %dma_wait3A_136 : memref<1x112x128xf32, #tpu.memory_space<vmem>> -> memref<112x128xf32, #tpu.memory_space<vmem>>
        %dma_wait3A_138 = tpu.memref_slice %arg8[%mul3A_133] : memref<10000xi32, #tpu.memory_space<vmem>> -> memref<112xi32, #tpu.memory_space<vmem>>
        %dma_wait3A_139 = arith.constant 0 : i32
        %dma_wait3A_140 = arith.constant 0 : i32
        %dma_wait3A_141 = tpu.memref_slice %arg12[%dma_wait3A_139, %dma_wait3A_140] : memref<10112x128xf32, #tpu.memory_space<vmem_shared>> -> memref<10112x128xf32, #tpu.memory_space<vmem_shared>>
        tpu.wait_indirect_dma semaphore(%arg11 : memref<!tpu.dma_semaphore, #tpu.memory_space<semaphore_mem>>) src(%dma_wait3A_137 : memref<112x128xf32, #tpu.memory_space<vmem>>) dst(%dma_wait3A_141 : memref<10112x128xf32, #tpu.memory_space<vmem_shared>>)
      } else {
      }
      %add3A_123 = arith.constant 1 : i32
      %add3A_124 = arith.addi %scan3A_99, %add3A_123 : i32
      %lt3A = arith.constant 89 : i32
      %lt3A_125 = arith.cmpi slt, %add3A_124, %lt3A : i32
      %convert_element_type3A_126 = arith.extui %lt3A_125 : i1 to i32
      %cond3A_127 = arith.constant 0 : i32
      %cond3A_128 = arith.cmpi ne, %convert_element_type3A_126, %cond3A_127 : i32
      scf.if %cond3A_128 {
        %add3A_129 = arith.constant 1 : i32
        %add3A_130 = arith.addi %scan3A_99, %add3A_129 : i32
        %mul3A_131 = arith.constant 112 : i32
        %mul3A_132 = arith.muli %add3A_130, %mul3A_131 : i32
        %sub3A = arith.constant 1 : i32
        %sub3A_133 = arith.subi %sub3A, %rem3A_100 : i32
        %dma_start3A_134 = arith.constant 0 : i32
        %dma_start3A_135 = arith.constant 0 : i32
        %dma_start3A_136 = tpu.memref_slice %arg9[%sub3A_133, %dma_start3A_134, %dma_start3A_135] : memref<2x112x128xf32, #tpu.memory_space<vmem>> -> memref<1x112x128xf32, #tpu.memory_space<vmem>>
        %dma_start3A_137 = tpu.memref_squeeze %dma_start3A_136 : memref<1x112x128xf32, #tpu.memory_space<vmem>> -> memref<112x128xf32, #tpu.memory_space<vmem>>
        %dma_start3A_138 = tpu.memref_slice %arg7[%mul3A_132] : memref<10000xi32, #tpu.memory_space<vmem>> -> memref<112xi32, #tpu.memory_space<vmem>>
        %dma_start3A_139 = arith.constant 0 : i32
        %dma_start3A_140 = arith.constant 0 : i32
        %dma_start3A_141 = tpu.memref_slice %arg2[%dma_start3A_139, %dma_start3A_140] : memref<40000x128xf32, #tpu.memory_space<hbm>> -> memref<40000x128xf32, #tpu.memory_space<hbm>>
        tpu.enqueue_indirect_dma source(%dma_start3A_141 : memref<40000x128xf32, #tpu.memory_space<hbm>>) target(%dma_start3A_137 : memref<112x128xf32, #tpu.memory_space<vmem>>) offsets(%dma_start3A_138 : memref<112xi32, #tpu.memory_space<vmem>>) semaphore(%arg10 : memref<!tpu.dma_semaphore, #tpu.memory_space<semaphore_mem>>)
      } else {
      }
    }
    %scan3A_80 = arith.constant 89 : i32
    %dma_wait3A_81 = arith.constant 0 : i32
    %dma_wait3A_82 = arith.constant 0 : i32
    %dma_wait3A_83 = arith.constant 0 : i32
    %dma_wait3A_84 = tpu.memref_slice %arg9[%dma_wait3A_81, %dma_wait3A_82, %dma_wait3A_83] : memref<2x112x128xf32, #tpu.memory_space<vmem>> -> memref<1x112x128xf32, #tpu.memory_space<vmem>>
    %dma_wait3A_85 = tpu.memref_squeeze %dma_wait3A_84 : memref<1x112x128xf32, #tpu.memory_space<vmem>> -> memref<112x128xf32, #tpu.memory_space<vmem>>
    %dma_wait3A_86 = arith.constant 9856 : i32
    %dma_wait3A_87 = tpu.memref_slice %arg8[%dma_wait3A_86] : memref<10000xi32, #tpu.memory_space<vmem>> -> memref<112xi32, #tpu.memory_space<vmem>>
    %dma_wait3A_88 = arith.constant 0 : i32
    %dma_wait3A_89 = arith.constant 0 : i32
    %dma_wait3A_90 = tpu.memref_slice %arg12[%dma_wait3A_88, %dma_wait3A_89] : memref<10112x128xf32, #tpu.memory_space<vmem_shared>> -> memref<10112x128xf32, #tpu.memory_space<vmem_shared>>
    tpu.wait_indirect_dma semaphore(%arg11 : memref<!tpu.dma_semaphore, #tpu.memory_space<semaphore_mem>>) src(%dma_wait3A_85 : memref<112x128xf32, #tpu.memory_space<vmem>>) dst(%dma_wait3A_90 : memref<10112x128xf32, #tpu.memory_space<vmem_shared>>)
    %run_scoped3A_91 = arith.constant 0 : i32
    "tpu.region"() ({
      %run_scoped3A_99 = tpu.sem_alloc : memref<!tpu.dma_semaphore, #tpu.memory_space<semaphore_mem>>
      %dma_start3A_100 = arith.constant 0 : i32
      %dma_start3A_101 = arith.constant 0 : i32
      %dma_start3A_102 = tpu.memref_slice %arg9[%run_scoped3A_91, %dma_start3A_100, %dma_start3A_101] : memref<2x112x128xf32, #tpu.memory_space<vmem>> -> memref<1x32x128xf32, #tpu.memory_space<vmem>>
      %dma_start3A_103 = tpu.memref_squeeze %dma_start3A_102 : memref<1x32x128xf32, #tpu.memory_space<vmem>> -> memref<32x128xf32, #tpu.memory_space<vmem>>
      %dma_start3A_104 = arith.constant 9968 : i32
      %dma_start3A_105 = tpu.memref_slice %arg7[%dma_start3A_104] : memref<10000xi32, #tpu.memory_space<vmem>> -> memref<32xi32, #tpu.memory_space<vmem>>
      %dma_start3A_106 = arith.constant 0 : i32
      %dma_start3A_107 = arith.constant 0 : i32
      %dma_start3A_108 = tpu.memref_slice %arg2[%dma_start3A_106, %dma_start3A_107] : memref<40000x128xf32, #tpu.memory_space<hbm>> -> memref<40000x128xf32, #tpu.memory_space<hbm>>
      tpu.enqueue_indirect_dma source(%dma_start3A_108 : memref<40000x128xf32, #tpu.memory_space<hbm>>) target(%dma_start3A_103 : memref<32x128xf32, #tpu.memory_space<vmem>>) offsets(%dma_start3A_105 : memref<32xi32, #tpu.memory_space<vmem>>) semaphore(%run_scoped3A_99 : memref<!tpu.dma_semaphore, #tpu.memory_space<semaphore_mem>>)
      %dma_wait3A_109 = arith.constant 0 : i32
      %dma_wait3A_110 = arith.constant 0 : i32
      %dma_wait3A_111 = tpu.memref_slice %arg9[%run_scoped3A_91, %dma_wait3A_109, %dma_wait3A_110] : memref<2x112x128xf32, #tpu.memory_space<vmem>> -> memref<1x32x128xf32, #tpu.memory_space<vmem>>
      %dma_wait3A_112 = tpu.memref_squeeze %dma_wait3A_111 : memref<1x32x128xf32, #tpu.memory_space<vmem>> -> memref<32x128xf32, #tpu.memory_space<vmem>>
      %dma_wait3A_113 = arith.constant 9968 : i32
      %dma_wait3A_114 = tpu.memref_slice %arg7[%dma_wait3A_113] : memref<10000xi32, #tpu.memory_space<vmem>> -> memref<32xi32, #tpu.memory_space<vmem>>
      %dma_wait3A_115 = arith.constant 0 : i32
      %dma_wait3A_116 = arith.constant 0 : i32
      %dma_wait3A_117 = tpu.memref_slice %arg2[%dma_wait3A_115, %dma_wait3A_116] : memref<40000x128xf32, #tpu.memory_space<hbm>> -> memref<40000x128xf32, #tpu.memory_space<hbm>>
      tpu.wait_indirect_dma semaphore(%run_scoped3A_99 : memref<!tpu.dma_semaphore, #tpu.memory_space<semaphore_mem>>) src(%dma_wait3A_117 : memref<40000x128xf32, #tpu.memory_space<hbm>>) dst(%dma_wait3A_112 : memref<32x128xf32, #tpu.memory_space<vmem>>)
      tpu.yield
    }) : () -> ()
    %run_scoped3A_92 = arith.constant 0 : i32
    "tpu.region"() ({
      %run_scoped3A_99 = tpu.sem_alloc : memref<!tpu.dma_semaphore, #tpu.memory_space<semaphore_mem>>
      %dma_start3A_100 = arith.constant 0 : i32
      %dma_start3A_101 = arith.constant 0 : i32
      %dma_start3A_102 = tpu.memref_slice %arg9[%run_scoped3A_92, %dma_start3A_100, %dma_start3A_101] : memref<2x112x128xf32, #tpu.memory_space<vmem>> -> memref<1x32x128xf32, #tpu.memory_space<vmem>>
      %dma_start3A_103 = tpu.memref_squeeze %dma_start3A_102 : memref<1x32x128xf32, #tpu.memory_space<vmem>> -> memref<32x128xf32, #tpu.memory_space<vmem>>
      %dma_start3A_104 = arith.constant 9968 : i32
      %dma_start3A_105 = tpu.memref_slice %arg8[%dma_start3A_104] : memref<10000xi32, #tpu.memory_space<vmem>> -> memref<32xi32, #tpu.memory_space<vmem>>
      %dma_start3A_106 = arith.constant 0 : i32
      %dma_start3A_107 = arith.constant 0 : i32
      %dma_start3A_108 = tpu.memref_slice %arg12[%dma_start3A_106, %dma_start3A_107] : memref<10112x128xf32, #tpu.memory_space<vmem_shared>> -> memref<10112x128xf32, #tpu.memory_space<vmem_shared>>
      tpu.enqueue_indirect_dma source(%dma_start3A_103 : memref<32x128xf32, #tpu.memory_space<vmem>>) target(%dma_start3A_108 : memref<10112x128xf32, #tpu.memory_space<vmem_shared>>) offsets(%dma_start3A_105 : memref<32xi32, #tpu.memory_space<vmem>>) semaphore(%run_scoped3A_99 : memref<!tpu.dma_semaphore, #tpu.memory_space<semaphore_mem>>) {add = true}
      %dma_wait3A_109 = arith.constant 0 : i32
      %dma_wait3A_110 = arith.constant 0 : i32
      %dma_wait3A_111 = tpu.memref_slice %arg9[%run_scoped3A_92, %dma_wait3A_109, %dma_wait3A_110] : memref<2x112x128xf32, #tpu.memory_space<vmem>> -> memref<1x32x128xf32, #tpu.memory_space<vmem>>
      %dma_wait3A_112 = tpu.memref_squeeze %dma_wait3A_111 : memref<1x32x128xf32, #tpu.memory_space<vmem>> -> memref<32x128xf32, #tpu.memory_space<vmem>>
      %dma_wait3A_113 = arith.constant 9968 : i32
      %dma_wait3A_114 = tpu.memref_slice %arg8[%dma_wait3A_113] : memref<10000xi32, #tpu.memory_space<vmem>> -> memref<32xi32, #tpu.memory_space<vmem>>
      %dma_wait3A_115 = arith.constant 0 : i32
      %dma_wait3A_116 = arith.constant 0 : i32
      %dma_wait3A_117 = tpu.memref_slice %arg12[%dma_wait3A_115, %dma_wait3A_116] : memref<10112x128xf32, #tpu.memory_space<vmem_shared>> -> memref<10112x128xf32, #tpu.memory_space<vmem_shared>>
      tpu.wait_indirect_dma semaphore(%run_scoped3A_99 : memref<!tpu.dma_semaphore, #tpu.memory_space<semaphore_mem>>) src(%dma_wait3A_112 : memref<32x128xf32, #tpu.memory_space<vmem>>) dst(%dma_wait3A_117 : memref<10112x128xf32, #tpu.memory_space<vmem_shared>>)
      tpu.yield
    }) : () -> ()
    %barrier3A_93 = arith.constant 0 : index
    tpu.barrier barrier_id(%barrier3A_93)
    %mul3A_94 = arith.constant 632 : i32
    %mul3A_95 = arith.muli %arg1, %mul3A_94 : i32
    %mul3A_96 = arith.constant 632 : i32
    %mul3A_97 = arith.muli %arg1, %mul3A_96 : i32
    "tpu.region"() ({
      %run_scoped3A_99 = tpu.sem_alloc : memref<!tpu.dma_semaphore, #tpu.memory_space<semaphore_mem>>
      %dma_start3A_100 = arith.constant 0 : i32
      %dma_start3A_101 = tpu.memref_slice %arg6[%add3A_53, %mul3A_97, %dma_start3A_100] : memref<4x10112x128xf32, #tpu.memory_space<hbm>> -> memref<1x632x128xf32, #tpu.memory_space<hbm>>
      %dma_start3A_102 = tpu.memref_squeeze %dma_start3A_101 : memref<1x632x128xf32, #tpu.memory_space<hbm>> -> memref<632x128xf32, #tpu.memory_space<hbm>>
      %dma_start3A_103 = arith.constant 0 : i32
      %dma_start3A_104 = tpu.memref_slice %arg12[%mul3A_95, %dma_start3A_103] : memref<10112x128xf32, #tpu.memory_space<vmem_shared>> -> memref<632x128xf32, #tpu.memory_space<vmem_shared>>
      tpu.enqueue_dma source(%dma_start3A_104 : memref<632x128xf32, #tpu.memory_space<vmem_shared>>) target(%dma_start3A_102 : memref<632x128xf32, #tpu.memory_space<hbm>>) target_semaphore(%run_scoped3A_99 : memref<!tpu.dma_semaphore, #tpu.memory_space<semaphore_mem>>)
      %dma_wait3A_105 = arith.constant 0 : i32
      %dma_wait3A_106 = tpu.memref_slice %arg6[%add3A_53, %mul3A_97, %dma_wait3A_105] : memref<4x10112x128xf32, #tpu.memory_space<hbm>> -> memref<1x632x128xf32, #tpu.memory_space<hbm>>
      %dma_wait3A_107 = tpu.memref_squeeze %dma_wait3A_106 : memref<1x632x128xf32, #tpu.memory_space<hbm>> -> memref<632x128xf32, #tpu.memory_space<hbm>>
      %dma_wait3A_108 = arith.constant 0 : i32
      %dma_wait3A_109 = tpu.memref_slice %arg12[%mul3A_95, %dma_wait3A_108] : memref<10112x128xf32, #tpu.memory_space<vmem_shared>> -> memref<632x128xf32, #tpu.memory_space<vmem_shared>>
      tpu.wait_dma2 semaphore(%run_scoped3A_99 : memref<!tpu.dma_semaphore, #tpu.memory_space<semaphore_mem>>) src(%dma_wait3A_109 : memref<632x128xf32, #tpu.memory_space<vmem_shared>>) dst(%dma_wait3A_107 : memref<632x128xf32, #tpu.memory_space<hbm>>)
      tpu.yield
    }) : () -> ()
    %barrier3A_98 = arith.constant 0 : index
    tpu.barrier barrier_id(%barrier3A_98)
    return
  }
}

module attributes {stable_mosaic.version = 14 : i64} {
  func.func @body(%arg0: i32, %arg1: i32, %arg2: memref<400x256xf32, #tpu.memory_space<vmem>>, %arg3: memref<256x128xf32, #tpu.memory_space<vmem>>, %arg4: memref<1x400x128xf32, #tpu.memory_space<vmem>>) attributes {dimension_semantics = [#tpu.dimension_semantics<arbitrary>, #tpu.dimension_semantics<arbitrary>], iteration_bounds = array<i64: 25, 4>, scalar_prefetch = 0 : i64, scratch_operands = 0 : i64, tpu.core_type = #tpu.core_type<tc>, window_params = [{transform_indices = @transform_0, window_bounds = array<i64: 400, 256>}, {transform_indices = @transform_1, window_bounds = array<i64: 256, 128>}, {transform_indices = @transform_2, window_bounds = array<i64: 1, 400, 128>}]} {
    %get3A = arith.constant 0 : index
    %get3A_0 = arith.constant 0 : index
    %get3A_1 = vector.load %arg2[%get3A, %get3A_0] : memref<400x256xf32, #tpu.memory_space<vmem>>, vector<400x256xf32>
    %get3A_2 = arith.constant 0 : index
    %get3A_3 = arith.constant 0 : index
    %get3A_4 = vector.load %arg3[%get3A_2, %get3A_3] : memref<256x128xf32, #tpu.memory_space<vmem>>, vector<256x128xf32>
    %dot_general3A = arith.constant dense<0.000000e+00> : vector<400x128xf32>
    %dot_general3A_5 = tpu.matmul %get3A_1, %get3A_4, %dot_general3A {dimension_numbers = #tpu.dot_dimension_numbers<[1], [0], [0], [1], [0, 0, 1, 1], [], []>, transpose_lhs_hint = false} : vector<400x256xf32>, vector<256x128xf32>, vector<400x128xf32> -> vector<400x128xf32>
    %broadcast_in_dim3A = vector.shape_cast %dot_general3A_5 : vector<400x128xf32> to vector<1x400x128xf32>
    %swap3A = arith.constant 0 : index
    %swap3A_6 = arith.constant 0 : index
    %swap3A_7 = arith.constant 0 : index
    %swap3A_8 = vector.load %arg4[%swap3A, %swap3A_6, %swap3A_7] : memref<1x400x128xf32, #tpu.memory_space<vmem>>, vector<1x400x128xf32>
    tpu.vector_store %arg4[%swap3A, %swap3A_6, %swap3A_7], %broadcast_in_dim3A {strides = array<i32>} : memref<1x400x128xf32, #tpu.memory_space<vmem>>, vector<1x400x128xf32>,
    return
  }
  func.func @transform_0(%arg0: i32, %arg1: i32) -> (i32, i32) {
    %c0_i32 = arith.constant 0 : i32
    %c0_i32_0 = arith.constant 0 : i32
    return %arg0, %c0_i32 : i32, i32
  }
  func.func @transform_1(%arg0: i32, %arg1: i32) -> (i32, i32) {
    %c0_i32 = arith.constant 0 : i32
    %c0_i32_0 = arith.constant 0 : i32
    return %c0_i32, %arg1 : i32, i32
  }
  func.func @transform_2(%arg0: i32, %arg1: i32) -> (i32, i32, i32) {
    %c0_i32 = arith.constant 0 : i32
    %c0_i32_0 = arith.constant 0 : i32
    return %arg1, %arg0, %c0_i32 : i32, i32, i32
  }
}

module attributes {stable_mosaic.version = 14 : i64} {
  func.func @body(%arg0: i32, %arg1: memref<2x400x128xf32, #tpu.memory_space<vmem>>, %arg2: memref<4x400x128xf32, #tpu.memory_space<vmem>>, %arg3: memref<4x400x128xf32, #tpu.memory_space<vmem>>, %arg4: memref<2x400x1xf32, #tpu.memory_space<vmem>>) attributes {dimension_semantics = [#tpu.dimension_semantics<arbitrary>], iteration_bounds = array<i64: 25>, scalar_prefetch = 0 : i64, scratch_operands = 0 : i64, tpu.core_type = #tpu.core_type<tc>, window_params = [{transform_indices = @transform_0, window_bounds = array<i64: 2, 400, 128>}, {transform_indices = @transform_1, window_bounds = array<i64: 4, 400, 128>}, {transform_indices = @transform_2, window_bounds = array<i64: 4, 400, 128>}, {transform_indices = @transform_3, window_bounds = array<i64: 2, 400, 1>}]} {
    %get3A = arith.constant 0 : index
    %get3A_0 = arith.constant 0 : index
    %get3A_1 = arith.constant 0 : index
    %get3A_2 = vector.load %arg1[%get3A, %get3A_0, %get3A_1] : memref<2x400x128xf32, #tpu.memory_space<vmem>>, vector<2x400x128xf32>
    %slice3A = vector.extract_strided_slice %get3A_2 {offsets = [0, 0, 0], sizes = [2, 400, 1], strides = [1, 1, 1]} : vector<2x400x128xf32> to vector<2x400x1xf32>
    %squeeze3A = vector.shape_cast %slice3A : vector<2x400x1xf32> to vector<2x400xf32>
    %gt3A = arith.constant 0.000000e+00 : f32
    %gt3A_3 = vector.broadcast %gt3A : f32 to vector<2x400xf32>
    %gt3A_4 = arith.cmpf ogt, %squeeze3A, %gt3A_3 : vector<2x400xf32>
    %max3A = arith.constant 1.000000e+00 : f32
    %max3A_5 = vector.broadcast %max3A : f32 to vector<2x400xf32>
    %max3A_6 = arith.maximumf %squeeze3A, %max3A_5 : vector<2x400xf32>
    %rsqrt3A = math.rsqrt %max3A_6 : vector<2x400xf32>
    %jit3A = arith.constant 0.000000e+00 : f32
    %broadcast_in_dim3A = vector.broadcast %jit3A : f32 to vector<2x400xf32>
    %select_n3A = arith.select %gt3A_4, %rsqrt3A, %broadcast_in_dim3A : vector<2x400xi1>, vector<2x400xf32>
    %get3A_7 = arith.constant 0 : index
    %get3A_8 = arith.constant 0 : index
    %get3A_9 = arith.constant 0 : index
    %get3A_10 = vector.load %arg2[%get3A_7, %get3A_8, %get3A_9] : memref<4x400x128xf32, #tpu.memory_space<vmem>>, vector<4x400x128xf32>
    %slice3A_11 = vector.extract_strided_slice %select_n3A {offsets = [0, 0], sizes = [1, 400], strides = [1, 1]} : vector<2x400xf32> to vector<1x400xf32>
    %squeeze3A_12 = vector.shape_cast %slice3A_11 : vector<1x400xf32> to vector<400xf32>
    %broadcast_in_dim3A_13 = vector.shape_cast %squeeze3A_12 : vector<400xf32> to vector<1x400x1xf32>
    %mul3A = vector.broadcast %broadcast_in_dim3A_13 : vector<1x400x1xf32> to vector<4x400x128xf32>
    %mul3A_14 = arith.mulf %get3A_10, %mul3A : vector<4x400x128xf32>
    %swap3A = arith.constant 0 : index
    %swap3A_15 = arith.constant 0 : index
    %swap3A_16 = arith.constant 0 : index
    %swap3A_17 = vector.load %arg3[%swap3A, %swap3A_15, %swap3A_16] : memref<4x400x128xf32, #tpu.memory_space<vmem>>, vector<4x400x128xf32>
    tpu.vector_store %arg3[%swap3A, %swap3A_15, %swap3A_16], %mul3A_14 {strides = array<i32>} : memref<4x400x128xf32, #tpu.memory_space<vmem>>, vector<4x400x128xf32>,
    %broadcast_in_dim3A_18 = vector.shape_cast %select_n3A : vector<2x400xf32> to vector<2x400x1xf32>
    %swap3A_19 = arith.constant 0 : index
    %swap3A_20 = arith.constant 0 : index
    %swap3A_21 = arith.constant 0 : index
    %swap3A_22 = vector.load %arg4[%swap3A_19, %swap3A_20, %swap3A_21] : memref<2x400x1xf32, #tpu.memory_space<vmem>>, vector<2x400x1xf32>
    tpu.vector_store %arg4[%swap3A_19, %swap3A_20, %swap3A_21], %broadcast_in_dim3A_18 {strides = array<i32>} : memref<2x400x1xf32, #tpu.memory_space<vmem>>, vector<2x400x1xf32>,
    return
  }
  func.func @transform_0(%arg0: i32) -> (i32, i32, i32) {
    %c0_i32 = arith.constant 0 : i32
    %c0_i32_0 = arith.constant 0 : i32
    %c0_i32_1 = arith.constant 0 : i32
    return %c0_i32, %arg0, %c0_i32_0 : i32, i32, i32
  }
  func.func @transform_1(%arg0: i32) -> (i32, i32, i32) {
    %c0_i32 = arith.constant 0 : i32
    %c0_i32_0 = arith.constant 0 : i32
    %c0_i32_1 = arith.constant 0 : i32
    return %c0_i32, %arg0, %c0_i32_0 : i32, i32, i32
  }
  func.func @transform_2(%arg0: i32) -> (i32, i32, i32) {
    %c0_i32 = arith.constant 0 : i32
    %c0_i32_0 = arith.constant 0 : i32
    %c0_i32_1 = arith.constant 0 : i32
    return %c0_i32, %arg0, %c0_i32_0 : i32, i32, i32
  }
  func.func @transform_3(%arg0: i32) -> (i32, i32, i32) {
    %c0_i32 = arith.constant 0 : i32
    %c0_i32_0 = arith.constant 0 : i32
    %c0_i32_1 = arith.constant 0 : i32
    return %c0_i32, %arg0, %c0_i32_0 : i32, i32, i32
  }
}

module attributes {stable_mosaic.version = 14 : i64} {
  func.func @body(%arg0: i32, %arg1: memref<4x400x128xf32, #tpu.memory_space<vmem>>, %arg2: memref<2x400x1xf32, #tpu.memory_space<vmem>>, %arg3: memref<512x256xf32, #tpu.memory_space<vmem>>, %arg4: memref<2x400x128xf32, #tpu.memory_space<vmem>>) attributes {dimension_semantics = [#tpu.dimension_semantics<arbitrary>], iteration_bounds = array<i64: 25>, scalar_prefetch = 0 : i64, scratch_operands = 0 : i64, tpu.core_type = #tpu.core_type<tc>, window_params = [{transform_indices = @transform_0, window_bounds = array<i64: 4, 400, 128>}, {transform_indices = @transform_1, window_bounds = array<i64: 2, 400, 1>}, {pipeline_mode = #tpu.pipeline_mode<synchronous>, transform_indices = @transform_2, window_bounds = array<i64: 512, 256>}, {transform_indices = @transform_3, window_bounds = array<i64: 2, 400, 128>}]} {
    %get3A = arith.constant 0 : index
    %get3A_0 = arith.constant 0 : index
    %get3A_1 = arith.constant 0 : index
    %get3A_2 = vector.load %arg2[%get3A, %get3A_0, %get3A_1] : memref<2x400x1xf32, #tpu.memory_space<vmem>>, vector<1x400x1xf32>
    %get3A_3 = vector.shape_cast %get3A_2 : vector<1x400x1xf32> to vector<400x1xf32>
    %get3A_4 = arith.constant 1 : index
    %get3A_5 = arith.constant 0 : index
    %get3A_6 = arith.constant 0 : index
    %get3A_7 = vector.load %arg2[%get3A_4, %get3A_5, %get3A_6] : memref<2x400x1xf32, #tpu.memory_space<vmem>>, vector<1x400x1xf32>
    %get3A_8 = vector.shape_cast %get3A_7 : vector<1x400x1xf32> to vector<400x1xf32>
    %broadcast_in_dim3A = arith.constant 0.000000e+00 : f32
    %broadcast_in_dim3A_9 = vector.broadcast %broadcast_in_dim3A : f32 to vector<400x256xf32>
    %get3A_10 = arith.constant 0 : index
    %get3A_11 = arith.constant 0 : index
    %get3A_12 = arith.constant 0 : index
    %get3A_13 = vector.load %arg1[%get3A_10, %get3A_11, %get3A_12] : memref<4x400x128xf32, #tpu.memory_space<vmem>>, vector<1x400x128xf32>
    %get3A_14 = vector.shape_cast %get3A_13 : vector<1x400x128xf32> to vector<400x128xf32>
    %mul3A = vector.broadcast %get3A_8 : vector<400x1xf32> to vector<400x128xf32>
    %mul3A_15 = arith.mulf %get3A_14, %mul3A : vector<400x128xf32>
    %max3A = arith.constant 0.000000e+00 : f32
    %max3A_16 = vector.broadcast %max3A : f32 to vector<400x128xf32>
    %max3A_17 = arith.maximumf %mul3A_15, %max3A_16 : vector<400x128xf32>
    %get3A_18 = arith.constant 0 : index
    %get3A_19 = arith.constant 0 : index
    %get3A_20 = vector.load %arg3[%get3A_18, %get3A_19] : memref<512x256xf32, #tpu.memory_space<vmem>>, vector<128x256xf32>
    %dot_general3A = arith.constant dense<0.000000e+00> : vector<400x256xf32>
    %dot_general3A_21 = tpu.matmul %max3A_17, %get3A_20, %dot_general3A {dimension_numbers = #tpu.dot_dimension_numbers<[1], [0], [0], [1], [0, 0, 1, 1], [], []>, transpose_lhs_hint = false} : vector<400x128xf32>, vector<128x256xf32>, vector<400x256xf32> -> vector<400x256xf32>
    %add3A = arith.addf %broadcast_in_dim3A_9, %dot_general3A_21 : vector<400x256xf32>
    %get3A_22 = arith.constant 1 : index
    %get3A_23 = arith.constant 0 : index
    %get3A_24 = arith.constant 0 : index
    %get3A_25 = vector.load %arg1[%get3A_22, %get3A_23, %get3A_24] : memref<4x400x128xf32, #tpu.memory_space<vmem>>, vector<1x400x128xf32>
    %get3A_26 = vector.shape_cast %get3A_25 : vector<1x400x128xf32> to vector<400x128xf32>
    %mul3A_27 = vector.broadcast %get3A_8 : vector<400x1xf32> to vector<400x128xf32>
    %mul3A_28 = arith.mulf %get3A_26, %mul3A_27 : vector<400x128xf32>
    %max3A_29 = arith.constant 0.000000e+00 : f32
    %max3A_30 = vector.broadcast %max3A_29 : f32 to vector<400x128xf32>
    %max3A_31 = arith.maximumf %mul3A_28, %max3A_30 : vector<400x128xf32>
    %get3A_32 = arith.constant 128 : index
    %get3A_33 = arith.constant 0 : index
    %get3A_34 = vector.load %arg3[%get3A_32, %get3A_33] : memref<512x256xf32, #tpu.memory_space<vmem>>, vector<128x256xf32>
    %dot_general3A_35 = arith.constant dense<0.000000e+00> : vector<400x256xf32>
    %dot_general3A_36 = tpu.matmul %max3A_31, %get3A_34, %dot_general3A_35 {dimension_numbers = #tpu.dot_dimension_numbers<[1], [0], [0], [1], [0, 0, 1, 1], [], []>, transpose_lhs_hint = false} : vector<400x128xf32>, vector<128x256xf32>, vector<400x256xf32> -> vector<400x256xf32>
    %add3A_37 = arith.addf %add3A, %dot_general3A_36 : vector<400x256xf32>
    %get3A_38 = arith.constant 2 : index
    %get3A_39 = arith.constant 0 : index
    %get3A_40 = arith.constant 0 : index
    %get3A_41 = vector.load %arg1[%get3A_38, %get3A_39, %get3A_40] : memref<4x400x128xf32, #tpu.memory_space<vmem>>, vector<1x400x128xf32>
    %get3A_42 = vector.shape_cast %get3A_41 : vector<1x400x128xf32> to vector<400x128xf32>
    %mul3A_43 = vector.broadcast %get3A_8 : vector<400x1xf32> to vector<400x128xf32>
    %mul3A_44 = arith.mulf %get3A_42, %mul3A_43 : vector<400x128xf32>
    %max3A_45 = arith.constant 0.000000e+00 : f32
    %max3A_46 = vector.broadcast %max3A_45 : f32 to vector<400x128xf32>
    %max3A_47 = arith.maximumf %mul3A_44, %max3A_46 : vector<400x128xf32>
    %get3A_48 = arith.constant 256 : index
    %get3A_49 = arith.constant 0 : index
    %get3A_50 = vector.load %arg3[%get3A_48, %get3A_49] : memref<512x256xf32, #tpu.memory_space<vmem>>, vector<128x256xf32>
    %dot_general3A_51 = arith.constant dense<0.000000e+00> : vector<400x256xf32>
    %dot_general3A_52 = tpu.matmul %max3A_47, %get3A_50, %dot_general3A_51 {dimension_numbers = #tpu.dot_dimension_numbers<[1], [0], [0], [1], [0, 0, 1, 1], [], []>, transpose_lhs_hint = false} : vector<400x128xf32>, vector<128x256xf32>, vector<400x256xf32> -> vector<400x256xf32>
    %add3A_53 = arith.addf %add3A_37, %dot_general3A_52 : vector<400x256xf32>
    %get3A_54 = arith.constant 3 : index
    %get3A_55 = arith.constant 0 : index
    %get3A_56 = arith.constant 0 : index
    %get3A_57 = vector.load %arg1[%get3A_54, %get3A_55, %get3A_56] : memref<4x400x128xf32, #tpu.memory_space<vmem>>, vector<1x400x128xf32>
    %get3A_58 = vector.shape_cast %get3A_57 : vector<1x400x128xf32> to vector<400x128xf32>
    %mul3A_59 = vector.broadcast %get3A_8 : vector<400x1xf32> to vector<400x128xf32>
    %mul3A_60 = arith.mulf %get3A_58, %mul3A_59 : vector<400x128xf32>
    %max3A_61 = arith.constant 0.000000e+00 : f32
    %max3A_62 = vector.broadcast %max3A_61 : f32 to vector<400x128xf32>
    %max3A_63 = arith.maximumf %mul3A_60, %max3A_62 : vector<400x128xf32>
    %get3A_64 = arith.constant 384 : index
    %get3A_65 = arith.constant 0 : index
    %get3A_66 = vector.load %arg3[%get3A_64, %get3A_65] : memref<512x256xf32, #tpu.memory_space<vmem>>, vector<128x256xf32>
    %dot_general3A_67 = arith.constant dense<0.000000e+00> : vector<400x256xf32>
    %dot_general3A_68 = tpu.matmul %max3A_63, %get3A_66, %dot_general3A_67 {dimension_numbers = #tpu.dot_dimension_numbers<[1], [0], [0], [1], [0, 0, 1, 1], [], []>, transpose_lhs_hint = false} : vector<400x128xf32>, vector<128x256xf32>, vector<400x256xf32> -> vector<400x256xf32>
    %add3A_69 = arith.addf %add3A_53, %dot_general3A_68 : vector<400x256xf32>
    %mul3A_70 = vector.broadcast %get3A_3 : vector<400x1xf32> to vector<400x256xf32>
    %mul3A_71 = arith.mulf %add3A_69, %mul3A_70 : vector<400x256xf32>
    %slice3A = vector.extract_strided_slice %mul3A_71 {offsets = [0, 0], sizes = [400, 128], strides = [1, 1]} : vector<400x256xf32> to vector<400x128xf32>
    %swap3A = arith.constant 0 : index
    %swap3A_72 = arith.constant 0 : index
    %swap3A_73 = arith.constant 0 : index
    %swap3A_74 = vector.load %arg4[%swap3A, %swap3A_72, %swap3A_73] : memref<2x400x128xf32, #tpu.memory_space<vmem>>, vector<1x400x128xf32>
    %swap3A_75 = vector.shape_cast %swap3A_74 : vector<1x400x128xf32> to vector<400x128xf32>
    %swap3A_76 = vector.shape_cast %slice3A : vector<400x128xf32> to vector<1x400x128xf32>
    tpu.vector_store %arg4[%swap3A, %swap3A_72, %swap3A_73], %swap3A_76 {strides = array<i32>} : memref<2x400x128xf32, #tpu.memory_space<vmem>>, vector<1x400x128xf32>,
    %slice3A_77 = vector.extract_strided_slice %mul3A_71 {offsets = [0, 128], sizes = [400, 128], strides = [1, 1]} : vector<400x256xf32> to vector<400x128xf32>
    %swap3A_78 = arith.constant 1 : index
    %swap3A_79 = arith.constant 0 : index
    %swap3A_80 = arith.constant 0 : index
    %swap3A_81 = vector.load %arg4[%swap3A_78, %swap3A_79, %swap3A_80] : memref<2x400x128xf32, #tpu.memory_space<vmem>>, vector<1x400x128xf32>
    %swap3A_82 = vector.shape_cast %swap3A_81 : vector<1x400x128xf32> to vector<400x128xf32>
    %swap3A_83 = vector.shape_cast %slice3A_77 : vector<400x128xf32> to vector<1x400x128xf32>
    tpu.vector_store %arg4[%swap3A_78, %swap3A_79, %swap3A_80], %swap3A_83 {strides = array<i32>} : memref<2x400x128xf32, #tpu.memory_space<vmem>>, vector<1x400x128xf32>,
    return
  }
  func.func @transform_0(%arg0: i32) -> (i32, i32, i32) {
    %c0_i32 = arith.constant 0 : i32
    %c0_i32_0 = arith.constant 0 : i32
    %c0_i32_1 = arith.constant 0 : i32
    return %c0_i32, %arg0, %c0_i32_0 : i32, i32, i32
  }
  func.func @transform_1(%arg0: i32) -> (i32, i32, i32) {
    %c0_i32 = arith.constant 0 : i32
    %c0_i32_0 = arith.constant 0 : i32
    %c0_i32_1 = arith.constant 0 : i32
    return %c0_i32, %arg0, %c0_i32_0 : i32, i32, i32
  }
  func.func @transform_2(%arg0: i32) -> (i32, i32) {
    %c0_i32 = arith.constant 0 : i32
    %c0_i32_0 = arith.constant 0 : i32
    %c0_i32_1 = arith.constant 0 : i32
    return %c0_i32, %c0_i32_0 : i32, i32
  }
  func.func @transform_3(%arg0: i32) -> (i32, i32, i32) {
    %c0_i32 = arith.constant 0 : i32
    %c0_i32_0 = arith.constant 0 : i32
    %c0_i32_1 = arith.constant 0 : i32
    return %c0_i32, %arg0, %c0_i32_0 : i32, i32, i32
  }
}

module attributes {stable_mosaic.version = 14 : i64} {
  func.func @body(%arg0: i32, %arg1: memref<2x400x128xf32, #tpu.memory_space<vmem>>, %arg2: memref<2x400x1xf32, #tpu.memory_space<vmem>>, %arg3: memref<400x256xf32, #tpu.memory_space<vmem>>) attributes {dimension_semantics = [#tpu.dimension_semantics<arbitrary>], iteration_bounds = array<i64: 25>, scalar_prefetch = 0 : i64, scratch_operands = 0 : i64, tpu.core_type = #tpu.core_type<tc>, window_params = [{transform_indices = @transform_0, window_bounds = array<i64: 2, 400, 128>}, {transform_indices = @transform_1, window_bounds = array<i64: 2, 400, 1>}, {transform_indices = @transform_2, window_bounds = array<i64: 400, 256>}]} {
    %get3A = arith.constant 1 : index
    %get3A_0 = arith.constant 0 : index
    %get3A_1 = arith.constant 0 : index
    %get3A_2 = vector.load %arg2[%get3A, %get3A_0, %get3A_1] : memref<2x400x1xf32, #tpu.memory_space<vmem>>, vector<1x400x1xf32>
    %get3A_3 = vector.shape_cast %get3A_2 : vector<1x400x1xf32> to vector<400x1xf32>
    %get3A_4 = arith.constant 0 : index
    %get3A_5 = arith.constant 0 : index
    %get3A_6 = arith.constant 0 : index
    %get3A_7 = vector.load %arg1[%get3A_4, %get3A_5, %get3A_6] : memref<2x400x128xf32, #tpu.memory_space<vmem>>, vector<1x400x128xf32>
    %get3A_8 = vector.shape_cast %get3A_7 : vector<1x400x128xf32> to vector<400x128xf32>
    %mul3A = vector.broadcast %get3A_3 : vector<400x1xf32> to vector<400x128xf32>
    %mul3A_9 = arith.mulf %get3A_8, %mul3A : vector<400x128xf32>
    %swap3A = arith.constant 0 : index
    %swap3A_10 = arith.constant 0 : index
    %swap3A_11 = vector.load %arg3[%swap3A, %swap3A_10] : memref<400x256xf32, #tpu.memory_space<vmem>>, vector<400x128xf32>
    tpu.vector_store %arg3[%swap3A, %swap3A_10], %mul3A_9 {strides = array<i32>} : memref<400x256xf32, #tpu.memory_space<vmem>>, vector<400x128xf32>,
    %get3A_12 = arith.constant 1 : index
    %get3A_13 = arith.constant 0 : index
    %get3A_14 = arith.constant 0 : index
    %get3A_15 = vector.load %arg1[%get3A_12, %get3A_13, %get3A_14] : memref<2x400x128xf32, #tpu.memory_space<vmem>>, vector<1x400x128xf32>
    %get3A_16 = vector.shape_cast %get3A_15 : vector<1x400x128xf32> to vector<400x128xf32>
    %mul3A_17 = vector.broadcast %get3A_3 : vector<400x1xf32> to vector<400x128xf32>
    %mul3A_18 = arith.mulf %get3A_16, %mul3A_17 : vector<400x128xf32>
    %swap3A_19 = arith.constant 0 : index
    %swap3A_20 = arith.constant 128 : index
    %swap3A_21 = vector.load %arg3[%swap3A_19, %swap3A_20] : memref<400x256xf32, #tpu.memory_space<vmem>>, vector<400x128xf32>
    tpu.vector_store %arg3[%swap3A_19, %swap3A_20], %mul3A_18 {strides = array<i32>} : memref<400x256xf32, #tpu.memory_space<vmem>>, vector<400x128xf32>,
    return
  }
  func.func @transform_0(%arg0: i32) -> (i32, i32, i32) {
    %c0_i32 = arith.constant 0 : i32
    %c0_i32_0 = arith.constant 0 : i32
    %c0_i32_1 = arith.constant 0 : i32
    return %c0_i32, %arg0, %c0_i32_0 : i32, i32, i32
  }
  func.func @transform_1(%arg0: i32) -> (i32, i32, i32) {
    %c0_i32 = arith.constant 0 : i32
    %c0_i32_0 = arith.constant 0 : i32
    %c0_i32_1 = arith.constant 0 : i32
    return %c0_i32, %arg0, %c0_i32_0 : i32, i32, i32
  }
  func.func @transform_2(%arg0: i32) -> (i32, i32) {
    %c0_i32 = arith.constant 0 : i32
    %c0_i32_0 = arith.constant 0 : i32
    return %arg0, %c0_i32 : i32, i32
  }
}

</mosaic_0001>

<sc_bundles>
// kernel: kernel.12.cloned.1.call-start
scs
__scs_entry_jumppad:
0x0: {  	(pc) =	sbr.rel $0x88, $3  }
0x1: {  	(tag) =	ssettag $0x0;
	lr =	simm.s32 $0x1  }
0x2: {  	[smem:$0x3F9D] =	sst lr;
	_ =	strace $0xD0000000  }
0x3: {  	_ = 	snop  }
0x4: {  	_ = 	snop  }
0x5: {  	_ = 	snop  }
0x6: {  	_ = 	snop  }
0x7: {  	_ = 	snop  }
__scs_overlays_trampoline_lowered:
0x8: {  	[smem:$0x3FAC] =	sst s0  }
0x9: {  	[smem:$0x3FAD] =	sst s1  }
0xa: {  	[smem:$0x3FAE] =	sst s2  }
0xb: {  	[smem:$0x3FAF] =	sst s3  }
0xc: {  	[smem:$0x3FB0] =	sst s4  }
0xd: {  	[smem:$0x3FB1] =	sst s5  }
0xe: {  	[smem:$0x3FB2] =	sst s6  }
0xf: {  	[smem:$0x3FB3] =	sst s7  }
0x10: {  	[smem:$0x3FB4] =	sst s8  }
0x11: {  	[smem:$0x3FB5] =	sst s9;
	s0 =	simm.s32 @!p0 $0x0  }
0x12: {  	s1 =	sld [smem:$0x3F9B];
	s0 =	simm.s32 @p0 $0x1  }
0x13: {  	[smem:$0x3FB6] =	sst s0;
	s0 =	simm.s32 @!p1 $0x0  }
0x14: {  	s2 =	sld [smem:$0x3F9A];
	s0 =	simm.s32 @p1 $0x1  }
0x15: {  	[smem:$0x3FB7] =	sst s0;
	s0 =	simm.s32 @!p2 $0x0  }
0x16: {  	s3 =	sld [smem:$0x3FDB];
	s0 =	simm.s32 @p2 $0x1  }
0x17: {  	s4 =	simm.s32 $0x1BF5;
	[smem:$0x3FB9] =	sst s0  }
0x18: {  	s0 =	sld [smem:$0x3F9C];
	_ =	swait.ge [sflag:s4], $0x0  }
0x19: {  	s7 =	sld [smem:$0x3F9D]  }
0x1a: {  	s8 =	sadd.s32 $0xFFFFE003, lr  }
0x1b: {  	s9 =	sadd.s32 $0xFFFFFEF7, lr;
	s5 =	simm.s32 $0xFFFFFFFF;
	p2 =	slt.u32 s8, $0xFFFFF086  }
0x1c: {  	p1 =	slt.u32 s9, $0xF7A;
	s5 =	simm.s32 @!p2 $0x0  }
0x1d: {  	s5 =	simm.s32 @p1 $0x1;
	p0 =	seq.s32 s7, s2  }
0x1e: {  	s7 =	smul.u32 @!p0 $0xF7A, s2;
	p2 =	seq.s32 @!p0 s5, $0x0  }
0x1f: {  	s9 =	smul.u32 $0xF7A, s1;
	s8 =	simm.s32 @!p0 $0x1BF5;
	p2 =	por !p2, p0  }
0x20: {  	[sflag:s8] =	ssyncset.s32 @!p0 $0xFFFFF086;
	s6 =	sadd.s32 @!p0 s3, s7;
	s7 =	simm.s32 @!p0 $0x108  }
0x21: {  	s3 =	sadd.s32 s3, s9;
	s6 =	sadd.s32 @!p0 $0x88, s6;
	s7 =	simm.s32 @p2 $0x1082  }
0x22: {  	[simem:s7], [sflag:s8] =	dma.local @!p0 [hbm:s6], $0xF7A  }
0x23: {  	s9 =	sor.u32 $0xD0000000, s2;
	s6 =	simm.s32 $0x108;
	_ =	swait.ge @!p0 [sflag:s8], $0x0  }
0x24: {  	s3 =	sadd.s32 $0x88, s3;
	s6 =	simm.s32 @!p1 $0x1082;
	[sflag:s4] =	ssyncset.s32 $0xFFFFF086  }
0x25: {  	[simem:s6], [sflag:s4] =	dma.local [hbm:s3], $0xF7A  }
0x26: {  	[smem:$0x3F9D] =	sst s1;
	(tag) =	ssettag s2;
	_ =	strace s9  }
0x27: {  	s1 =	sld [smem:$0x3FAD]  }
0x28: {  	s2 =	sld [smem:$0x3FAE]  }
0x29: {  	s4 =	sld [smem:$0x3FB0]  }
0x2a: {  	p0 =	seq.s32 s5, $0x0;
	s5 =	sld [smem:$0x3FB1]  }
0x2b: {  	s6 =	sld [smem:$0x3FB2]  }
0x2c: {  	s7 =	sld [smem:$0x3FB3]  }
0x2d: {  	s3 =	simm.s32 $0x108;
	s8 =	sld [smem:$0x3FB4]  }
0x2e: {  	s3 =	simm.s32 @!p0 $0x1082;
	s9 =	sld [smem:$0x3FB5]  }
0x2f: {  	lr =	sadd.s32 s0, s3;
	s0 =	sld [smem:$0x3FAC]  }
0x30: {  	s3 =	sld [smem:$0x3FAF]  }
0x31: {  	[smem:$0x3FB8] =	sst s10  }
0x32: {  	s10 =	sld [smem:$0x3FB6];
	_ =	sdelay $0x3  }
0x33: {  	p0 =	seq.s32 s10, $0x1;
	s10 =	sld [smem:$0x3FB8];
	_ =	sdelay $0x3  }
0x34: {  	[smem:$0x3FB8] =	sst s10  }
0x35: {  	s10 =	sld [smem:$0x3FB7];
	_ =	sdelay $0x3  }
0x36: {  	p1 =	seq.s32 s10, $0x1;
	s10 =	sld [smem:$0x3FB8];
	_ =	sdelay $0x3  }
0x37: {  	[smem:$0x3FB8] =	sst s10  }
0x38: {  	s10 =	sld [smem:$0x3FB9]  }
0x39: {  	_ = 	snop;
	(pc) =	sbr.ind lr, $3  }
0x3a: {  	_ = 	snop  }
0x3b: {  	_ = 	snop  }
0x3c: {  	p2 =	seq.s32 s10, $0x1;
	s10 =	sld [smem:$0x3FB8]  }
0x3d: {  	_ =	shalt  }
0x3e: {  	_ =	shalt  }
0x3f: {  	_ =	shalt  }
0x40: {  	_ =	shalt  }
0x41: {  	_ =	shalt  }
0x42: {  	_ =	shalt  }
0x43: {  	_ =	shalt  }
0x44: {  	_ =	shalt  }
0x45: {  	_ =	shalt  }
0x46: {  	_ =	shalt  }
0x47: {  	_ =	shalt  }
0x48: {  	_ =	shalt  }
0x49: {  	_ =	shalt  }
0x4a: {  	_ =	shalt  }
0x4b: {  	_ =	shalt  }
0x4c: {  	_ =	shalt  }
0x4d: {  	_ =	shalt  }
0x4e: {  	_ =	shalt  }
0x4f: {  	_ =	shalt  }
0x50: {  	_ =	shalt  }
0x51: {  	_ =	shalt  }
0x52: {  	_ =	shalt  }
0x53: {  	_ =	shalt  }
0x54: {  	_ =	shalt  }
0x55: {  	_ =	shalt  }
0x56: {  	_ =	shalt  }
0x57: {  	_ =	shalt  }
0x58: {  	_ =	shalt  }
0x59: {  	_ =	shalt  }
0x5a: {  	_ =	shalt  }
0x5b: {  	_ =	shalt  }
0x5c: {  	_ =	shalt  }
0x5d: {  	_ =	shalt  }
0x5e: {  	_ =	shalt  }
0x5f: {  	_ =	shalt  }
0x60: {  	_ =	shalt  }
0x61: {  	_ =	shalt  }
0x62: {  	_ =	shalt  }
0x63: {  	_ =	shalt  }
0x64: {  	_ =	shalt  }
0x65: {  	_ =	shalt  }
0x66: {  	_ =	shalt  }
0x67: {  	_ =	shalt  }
0x68: {  	_ =	shalt  }
0x69: {  	_ =	shalt  }
0x6a: {  	_ =	shalt  }
0x6b: {  	_ =	shalt  }
0x6c: {  	_ =	shalt  }
0x6d: {  	_ =	shalt  }
0x6e: {  	_ =	shalt  }
0x6f: {  	_ =	shalt  }
0x70: {  	_ =	shalt  }
0x71: {  	_ =	shalt  }
0x72: {  	_ =	shalt  }
0x73: {  	_ =	shalt  }
0x74: {  	_ =	shalt  }
0x75: {  	_ =	shalt  }
0x76: {  	_ =	shalt  }
0x77: {  	_ =	shalt  }
0x78: {  	_ =	shalt  }
0x79: {  	_ =	shalt  }
0x7a: {  	_ =	shalt  }
0x7b: {  	_ =	shalt  }
0x7c: {  	_ =	shalt  }
0x7d: {  	_ =	shalt  }
0x7e: {  	_ =	shalt  }
0x7f: {  	_ =	shalt  }
0x80: {  	_ =	shalt  }
0x81: {  	_ =	shalt  }
0x82: {  	_ =	shalt  }
0x83: {  	_ =	shalt  }
0x84: {  	_ =	shalt  }
0x85: {  	_ =	shalt  }
0x86: {  	_ =	shalt  }
0x87: {  	_ =	shalt  }
.Lfunc_end0:
.L_simem_size_0:
called_computation.1_lowered:
.L_overlay_start_0:
0x88: {  	s2 =	sld [smem:$0x3FD9]  }
0x89: {  	s3 =	sld [smem:$0x3FFE];
	_ =	sdelay $0x1  }
0x8a: {  	s1 =	srdreg.scid  }
0x8b: {  	s0 =	sand.u32 $0x1, s1  }
0x8c: {  	s16 =	sshll.u32 s0, $0xA;
	s2 =	sadd.s32 s3, s2  }
0x8d: {  	s2 =	sadd.s32 s2, s16  }
0x8e: {  	[smem:$0x3FC4] =	sst s2  }
0x8f: {  	_ = 	snop  }
0x90: {  	(tm) =	ssettm $0x1  }
0x91: {  	s17 =	sld [smem:$0x3FFB];
	_ =	sdelay $0x3  }
0x92: {  	_ =	strace s17  }
0x93: {  	s2 =	sld [smem:$0x3FFC];
	_ =	sdelay $0x3  }
0x94: {  	_ =	strace s2  }
0x95: {  	s2 =	sld [smem:$0x3FFD];
	_ =	sdelay $0x3  }
0x96: {  	_ =	strace s2  }
0x97: {  	_ =	strace $0x8FFFFFFF  }
0x98: {  	s18 =	sld [smem:$0x3FDB];
	_ =	sdelay $0x1  }
0x99: {  	s19 =	simm.s32 $_scs_section_size  }
0x9a: {  	s4 =	simm.s32 $_size__tile_overlayer_lowered;
	s5 =	simm.s32 $_tile_overlayer_lowered  }
0x9b: {  	s22 =	simm.s32 $0x1BFF;
	s21 =	sshll.u32 s5, $0x1;
	s2 =	sadd.s32 s19, s18  }
0x9c: {  	s6 =	simm.s32 $0x0;
	s20 =	sshll.u32 s4, $0x1;
	s4 =	sadd.s32 s21, s2  }
0x9d: {  	[timem:s6], [sflag:s22] =	dma.local [hbm:s4], s20  }
0x9e: {  	_ =	swait.ge [sflag:s22], s20  }
0x9f: {  	s3 =	ssub.s32 $0x0, s20;
	[sflag:s22] =	ssyncset.done $0x0  }
0xa0: {  	[sflag:s22] =	ssyncadd.s32 s3;
	_ =	sdelay $0x1  }
0xa1: {  	s23 =	simm.s32 $0x1B8B  }
0xa2: {  	_ =	swait.ge [sflag:s23], $0x1  }
0xa3: {  	[sflag:s23] =	ssyncset.done $0x0  }
0xa4: {  	s25 =	simm.s32 $0x1B8E;
	s24 =	sld [smem:$0x3FFE];
	[sflag:s23] =	ssyncadd.s32 $0xFFFFFFFF  }
0xa5: {  	s26 =	simm.s32 $execute0_lowered;
	[smem:$0x3FD2] =	sst s25  }
0xa6: {  	s4 =	sshll.u32 s26, $0x1;
	_ =	strace $0x80000049;
	[dreg:$0x1] =	wrdreg $0xFFFFFFFF  }
0xa7: {  	s28 =	simm.s32 $_size_execute0_lowered;
	s2 =	sadd.s32 s2, s4;
	[dreg:$0x0] =	wrdreg $0x0  }
0xa8: {  	s4 =	sshll.u32 s28, $0x1;
	[dreg:$0x2] =	wrdreg s2  }
0xa9: {  	[dreg:$0x3] =	wrdreg s4  }
0xaa: {  	[dreg:$0x4] =	wrdreg $0xC0  }
0xab: {  	_ =	task [dreg:s6], $0x5FFFF  }
0xac: {  	[dreg:$0x1] =	wrdreg $0xFFFFFFFF  }
0xad: {  	[dreg:$0x0] =	wrdreg $0x60  }
0xae: {  	[dreg:$0x2] =	wrdreg s24  }
0xaf: {  	[dreg:$0x3] =	wrdreg $0xBF000  }
0xb0: {  	[dreg:$0x4] =	wrdreg $0x9  }
0xb1: {  	_ =	task.clear_ibuf [dreg:s6], $0x5FFFF;
	_ =	strace $0x90000049  }
0xb2: {  	s29 =	simm.s32 $0x9;
	_ =	strace $0x8000004B  }
0xb3: {  	_ =	swait.ge [sflag:s29], $0x1  }
0xb4: {  	[sflag:s29] =	ssyncadd.s32 $0xFFFFFFFF  }
0xb5: {  	_ =	strace $0x9000004B  }
0xb6: {  	_ =	sfence  }
0xb7: {  	s30 =	sld [smem:$0x0];
	_ =	sdelay $0x2  }
0xb8: {  	s31 =	sshll.u32 s1, $0xD;
	s1 =	sshrl.u32 s1, $0x2  }
0xb9: {  	s3 =	sand.u32 $0x4000, s31;
	s1 =	sadd.s32 s1, s30  }
0xba: {  	s0 =	sor.u32 s3, s0;
	s1 =	sshll.u32 s1, $0x11  }
0xbb: {  	s0 =	sor.u32 s1, s0  }
0xbc: {  	s0 =	sadd.s32 $0x8F2B, s0  }
0xbd: {  	[sflag:s0] =	ssyncadd.remote.s32 $0x1  }
0xbe: {  	_ =	sfence.sel $0xFFFF  }
0xbf: {  	[dreg:$0x0] =	wrdreg $0xFFFFFFFF;
	(pc) =	sbr.abs _section_cstart, $3  }
0xc0: {  	[dreg:$0x1] =	wrdreg $0xFFFFFFFF  }
0xc1: {  	_ =	task.clear_ibuf [dreg:s6], $0x2FFFF;
	_ =	strace $0x9FFFFFFF  }
0xc2: {  	(tm) =	ssettm $0x7FFFFFFF  }
0xc3: {  	_ =	shalt  }
tec
execute0_lowered:
.L_overlay_start_1:
0x0: {  	(tag) =	ssettag $0x1  }
0x1: {  	s5 =	rddreg [dreg:$0x0]  }
0x2: {  	s2 =	rddreg [dreg:$0x1]  }
0x3: {  	s0 =	rddreg [dreg:$0x2];
	s1 =	stileid.u32  }
0x4: {  	s3 =	simm.s32 $0x0;
	s4 =	srdreg.scid;
	s15 =	simm.s32 $0x4F00  }
0x5: {  	s16 =	simm.s32 $0x1;
	s17 =	simm.s32 $0x70;
	s18 =	simm.s32 $0x2  }
0x6: {  	s19 =	simm.s32 $0x20;
	s21 =	simm.s32 $0x4E70;
	s6 =	smul.u32 $0x4E2, s1  }
0x7: {  	s22 =	simm.s32 $0x0;
	[smem:$0x7FF] =	sst s3;
	s7 =	smul.u32 $0x13C00, s1  }
0x8: {  	s8 =	sand.u32 $0x1, s4;
	s4 =	sadd.s32 $0x11FE00, s5;
	s12 =	smul.u32 $0x4F000, s1  }
0x9: {  	s31 =	sshll.u32 s1, $0x6;
	_ =	strace $0x8000004A;
	s9 =	smul.u32 $0x278000, s8  }
0xa: {  	s29 =	ssub.s32 $0x2, s8;
	s20 =	smul.u32 $0x4E20, s8;
	s6 =	sadd.s32 s6, s5  }
0xb: {  	s10 =	sshrl.u32 s7, $0x3;
	s11 =	sshrl.u32 s29, $0x1;
	s30 =	sshrl.u32 s12, $0x2  }
0xc: {  	s12 =	simm.s32 $0x2780;
	s10 =	sadd.s32 s10, s5;
	s7 =	sadd.s32 s7, s9  }
.Ltmp0:
0xd: {  	s11 =	ssub.s32 s29, s11;
	s14 =	sadd.s32 s30, s2;
	(pc) =	sbr.rel .LBB2_1-.Ltmp0, $4  }
0xe: {  	v0 =	vmov s20;
	s20 =	simm.s32 $0x26F0;
	s7 =	sshrl.u32 s7, $0x3;
	s14 =	sshrl.u32 s14, $0x3  }
0xf: {  	s13 =	sadd.s32 s7, s5;
	s5 =	sadd.s32 $0x11AE00, s6;
	s6 =	sadd.s32 $0x115E00, s6  }
0x10: {  	s7 =	sadd.s32 $0x1E00, s10;
	s10 =	smax.u32 s11, $0x1;
	s11 =	simm.s32 $0x3  }
0x11: {  	s8 =	sadd.s32 $0x29600, s13;
	s9 =	sadd.s32 $0x50E00, s13;
	s13 =	sor.u32 $0x1C03, s31  }
.LBB2_11:
0x12: {  	_ =	swait.ge [sflag:s18], $0x3800  }
0x13: {  	[sflag:s18] =	ssyncset.done $0x0  }
0x14: {  	[sflag:s18] =	ssyncadd.s32 $0xFFFFC800  }
0x15: {  	[tilespmem:s15], [sflag:$0x3] =	stream.indirect.gather [hbm4b:s4+s19], $0x80, s20, s19, $0xb8;
	[tilespmem:$0x1FB00] =	vst v63  }
0x16: {  	_ =	swait.ge [sflag:s11], $0x1000  }
0x17: {  	[sflag:s11] =	ssyncset.done $0x0  }
0x18: {  	[sflag:s11] =	ssyncadd.s32 $0xFFFFF000  }
0x19: {  	[spmem:s2] =	stream.indirect.scatter.add.f32 [tilespmem:s15], [sflag:$0x3], $0x80, s21, s19, $0xb8;
	[tilespmem:$0x1FB00] =	vst v63  }
0x1a: {  	_ =	swait.ge [sflag:s11], $0x1000  }
0x1b: {  	[sflag:s11] =	ssyncset.done $0x0  }
0x1c: {  	s22 =	sadd.s32 $0x1, s22;
	[sflag:s11] =	ssyncadd.s32 $0xFFFFF000  }
0x1d: {  	p0 =	sne.s32 s22, s10;
	[bflag:$0x0] =	sbarrier.arrive $0xFFFF  }
0x1e: {  	[hbm:s9], [sflag:s13] =	dma.local [spmem:s14], $0x2780  }
.Ltmp1:
0x1f: {  	_ =	swait.ge [sflag:s11], $0x2780;
	(pc) =	sbr.rel @!p0 .LBB2_12-.Ltmp1, $3  }
0x20: {  	[sflag:s11] =	ssyncset.done $0x0  }
0x21: {  	[sflag:s11] =	ssyncadd.s32 $0xFFFFD880  }
0x22: {  	[bflag:$0x0] =	sbarrier.arrive $0xFFFF;
	_ =	sdelay $0x1  }
.LBB2_1:
0x23: {  	[tilespmem:s3], [sflag:$0x3] =	stream.linear.gather [hbm4b:s5+s3], $0x2710, $0x38;
	[tilespmem:$0x1FB00] =	vst v63  }
0x24: {  	_ =	swait.ge [sflag:s11], $0x2710  }
0x25: {  	[sflag:s11] =	ssyncset.done $0x0  }
0x26: {  	[sflag:s11] =	ssyncadd.s32 $0xFFFFD8F0  }
0x27: {  	[tilespmem:s12], [sflag:$0x3] =	stream.linear.gather [hbm4b:s6+s3], $0x2710, $0x38;
	[tilespmem:$0x1FB00] =	vst v63  }
0x28: {  	_ =	swait.ge [sflag:s11], $0x2710  }
0x29: {  	[sflag:s11] =	ssyncset.done $0x0  }
0x2a: {  	s23 =	simm.s32 $0x0;
	s24 =	simm.s32 $0x40;
	[sflag:s11] =	ssyncadd.s32 $0xFFFFD8F0  }
.LBB2_2:
0x2b: {  	p0 =	sne.s32 s24, $0x9C00;
	v1 =	vld [tilespmem:s23+$0x0];
	_ =	sdelay $0x1  }
.Ltmp2:
0x2c: {  	(pc) =	sbr.rel @p0 .LBB2_2-.Ltmp2, $3  }
0x2d: {  	_ =	sdelay $0x1  }
0x2e: {  	v1 =	vadd.s32 v0, v1  }
0x2f: {  	[tilespmem:s23+$0x0] =	vst v1;
	s23 =	sshra.s32 s24, $0x2;
	s24 =	sadd.s32 $0x40, s24  }
0x30: {  	v1 =	vld [tilespmem:s23+$0x0];
	_ =	sdelay $0x4  }
0x31: {  	v1 =	vadd.s32 v0, v1  }
0x32: {  	[tilespmem:s23+$0x0] =	vst v1  }
0x33: {  	[spmem:s14], [sflag:s13] =	dma.local [hbm:s7], $0x2780  }
0x34: {  	_ =	swait.ge [sflag:s11], $0x2780  }
0x35: {  	[sflag:s11] =	ssyncset.done $0x0  }
0x36: {  	s24 =	simm.s32 $0x0;
	[sflag:s11] =	ssyncadd.s32 $0xFFFFD880  }
0x37: {  	s25 =	simm.s32 $0x2780;
	s23 =	simm.s32 $0x70;
	[bflag:$0x0] =	sbarrier.arrive $0xFFFF  }
0x38: {  	[tilespmem:s15], [sflag:$0x1] =	stream.indirect.gather [hbm4b:s4+s23], $0x80, s24, s23, $0xb8;
	[tilespmem:$0x1FB00] =	vst v63  }
.LBB2_4:
0x39: {  	s26 =	sand.u32 $0x1, s24  }
0x3a: {  	s28 =	smul.u32 $0xE000, s26  }
0x3b: {  	_ =	swait.ge [sflag:s16], $0x3800;
	p0 =	seq.s32 s24, $0x0  }
0x3c: {  	[sflag:s16] =	ssyncset.done $0x0;
	p1 =	seq.s32 @!p0 s24, $0x58;
	s28 =	sshrl.u32 s28, $0x2  }
0x3d: {  	[sflag:s16] =	ssyncadd.s32 $0xFFFFC800;
	p1 =	por p0, !p1;
	s28 =	sadd.s32 $0x4F00, s28  }
0x3e: {  	[spmem:s2] =	stream.indirect.scatter.add.f32 [tilespmem:s28], [sflag:$0x2], $0x80, s25, s17, $0xb8;
	[tilespmem:$0x1FB00] =	vst v63  }
.Ltmp3:
0x3f: {  	_ = 	snop;
	(pc) =	sbr.rel @!p1 .LBB2_6-.Ltmp3, $4  }
0x40: {  	s28 =	simm.s32 @!p0 $0x2  }
0x41: {  	_ =	swait.ge @!p0 [sflag:s28], $0x3800  }
0x42: {  	[sflag:s28] =	ssyncset.done @!p0 $0x0  }
0x43: {  	[sflag:s28] =	ssyncadd.s32 @!p0 $0xFFFFC800  }
0x44: {  	s26 =	sxor.u32 $0x1, s26  }
0x45: {  	s26 =	smul.u32 $0xE000, s26  }
.Ltmp4:
0x46: {  	_ = 	snop;
	(pc) =	sbr.rel .LBB2_4-.Ltmp4, $4  }
0x47: {  	s26 =	sshrl.u32 s26, $0x2  }
0x48: {  	s26 =	sadd.s32 $0x4F00, s26  }
0x49: {  	[tilespmem:s26], [sflag:$0x1] =	stream.indirect.gather [hbm4b:s4+s17], $0x80, s23, s17, $0xb8;
	[tilespmem:$0x1FB00] =	vst v63  }
0x4a: {  	s24 =	sadd.s32 $0x1, s24;
	s25 =	sadd.s32 $0x70, s25;
	s23 =	sadd.s32 $0x70, s23  }
.LBB2_6:
0x4b: {  	_ =	swait.ge [sflag:s18], $0x3800  }
0x4c: {  	[sflag:s18] =	ssyncset.done $0x0  }
0x4d: {  	[sflag:s18] =	ssyncadd.s32 $0xFFFFC800  }
0x4e: {  	[tilespmem:s15], [sflag:$0x3] =	stream.indirect.gather [hbm4b:s4+s19], $0x80, s20, s19, $0xb8;
	[tilespmem:$0x1FB00] =	vst v63  }
0x4f: {  	_ =	swait.ge [sflag:s11], $0x1000  }
0x50: {  	[sflag:s11] =	ssyncset.done $0x0  }
0x51: {  	[sflag:s11] =	ssyncadd.s32 $0xFFFFF000  }
0x52: {  	[spmem:s2] =	stream.indirect.scatter.add.f32 [tilespmem:s15], [sflag:$0x3], $0x80, s21, s19, $0xb8;
	[tilespmem:$0x1FB00] =	vst v63  }
0x53: {  	_ =	swait.ge [sflag:s11], $0x1000  }
0x54: {  	[sflag:s11] =	ssyncset.done $0x0  }
0x55: {  	[sflag:s11] =	ssyncadd.s32 $0xFFFFF000  }
0x56: {  	[bflag:$0x0] =	sbarrier.arrive $0xFFFF  }
0x57: {  	[hbm:s8], [sflag:s13] =	dma.local [spmem:s14], $0x2780  }
0x58: {  	_ =	swait.ge [sflag:s11], $0x2780  }
0x59: {  	[sflag:s11] =	ssyncset.done $0x0  }
0x5a: {  	[sflag:s11] =	ssyncadd.s32 $0xFFFFD880  }
0x5b: {  	s23 =	simm.s32 $0x0;
	s24 =	simm.s32 $0x40;
	[bflag:$0x0] =	sbarrier.arrive $0xFFFF  }
.LBB2_7:
0x5c: {  	p0 =	sne.s32 s24, $0x9C00;
	v1 =	vld [tilespmem:s23+$0x0];
	_ =	sdelay $0x1  }
.Ltmp5:
0x5d: {  	(pc) =	sbr.rel @p0 .LBB2_7-.Ltmp5, $3  }
0x5e: {  	_ =	sdelay $0x1  }
0x5f: {  	v1 =	vadd.s32 $0x2710, v1  }
0x60: {  	[tilespmem:s23+$0x0] =	vst v1;
	s23 =	sshra.s32 s24, $0x2;
	s24 =	sadd.s32 $0x40, s24  }
0x61: {  	v1 =	vld [tilespmem:s23+$0x0];
	_ =	sdelay $0x4  }
0x62: {  	v1 =	vadd.s32 $0x2710, v1  }
0x63: {  	[tilespmem:s23+$0x0] =	vst v1  }
0x64: {  	[spmem:s14], [sflag:s13] =	dma.local [hbm:s7], $0x2780  }
0x65: {  	_ =	swait.ge [sflag:s11], $0x2780  }
0x66: {  	[sflag:s11] =	ssyncset.done $0x0  }
0x67: {  	s24 =	simm.s32 $0x0;
	[sflag:s11] =	ssyncadd.s32 $0xFFFFD880  }
0x68: {  	s25 =	simm.s32 $0x2780;
	s23 =	simm.s32 $0x70;
	[bflag:$0x0] =	sbarrier.arrive $0xFFFF  }
0x69: {  	[tilespmem:s15], [sflag:$0x1] =	stream.indirect.gather [hbm4b:s4+s23], $0x80, s24, s23, $0xb8;
	[tilespmem:$0x1FB00] =	vst v63  }
.LBB2_9:
0x6a: {  	s26 =	sand.u32 $0x1, s24  }
0x6b: {  	s28 =	smul.u32 $0xE000, s26  }
0x6c: {  	_ =	swait.ge [sflag:s16], $0x3800;
	p0 =	seq.s32 s24, $0x0  }
0x6d: {  	[sflag:s16] =	ssyncset.done $0x0;
	p1 =	seq.s32 @!p0 s24, $0x58;
	s28 =	sshrl.u32 s28, $0x2  }
0x6e: {  	[sflag:s16] =	ssyncadd.s32 $0xFFFFC800;
	p1 =	por p0, !p1;
	s28 =	sadd.s32 $0x4F00, s28  }
0x6f: {  	[spmem:s2] =	stream.indirect.scatter.add.f32 [tilespmem:s28], [sflag:$0x2], $0x80, s25, s17, $0xb8;
	[tilespmem:$0x1FB00] =	vst v63  }
.Ltmp6:
0x70: {  	_ = 	snop;
	(pc) =	sbr.rel @!p1 .LBB2_11-.Ltmp6, $4  }
0x71: {  	s28 =	simm.s32 @!p0 $0x2  }
0x72: {  	_ =	swait.ge @!p0 [sflag:s28], $0x3800  }
0x73: {  	[sflag:s28] =	ssyncset.done @!p0 $0x0  }
0x74: {  	[sflag:s28] =	ssyncadd.s32 @!p0 $0xFFFFC800  }
0x75: {  	s26 =	sxor.u32 $0x1, s26  }
0x76: {  	s26 =	smul.u32 $0xE000, s26  }
.Ltmp7:
0x77: {  	_ = 	snop;
	(pc) =	sbr.rel .LBB2_9-.Ltmp7, $4  }
0x78: {  	s26 =	sshrl.u32 s26, $0x2  }
0x79: {  	s26 =	sadd.s32 $0x4F00, s26  }
0x7a: {  	[tilespmem:s26], [sflag:$0x1] =	stream.indirect.gather [hbm4b:s4+s17], $0x80, s23, s17, $0xb8;
	[tilespmem:$0x1FB00] =	vst v63  }
0x7b: {  	s24 =	sadd.s32 $0x1, s24;
	s25 =	sadd.s32 $0x70, s25;
	s23 =	sadd.s32 $0x70, s23  }
.LBB2_12:
0x7c: {  	_ =	sfence.sel $0x180000  }
0x7d: {  	[bflag:$0x0] =	sbarrier.arrive $0xFFFF  }
0x7e: {  	p0 =	sne.s32 s1, $0x0;
	_ =	strace $0x9000004A  }
0x7f: {  	s0 =	sadd.s32 @!p0 $0x100000, s0;
	[bflag:$0x2] =	sbarrier.arrive $0xFFFF  }
0x80: {  	[sflag:s0] =	ssyncadd.tile.s32 @!p0 $0x1;
	_ =	shalt  }
.Lfunc_end2:
_tile_overlayer_lowered:
.L_overlay_start_2:
0x81: {  	(tag) =	ssettag $0x2  }
0x82: {  	s0 =	rddreg [dreg:$0x0];
	s2 =	stileid.u32  }
0x83: {  	s1 =	rddreg [dreg:$0x1];
	p0 =	sne.s32 s2, $0x0  }
0x84: {  	s3 =	rddreg [dreg:$0x2];
	[bflag:$0x3] =	sbarrier.arrive $0xFFFF;
	s2 =	simm.s32 @!p0 $0x1C03  }
0x85: {  	[timem:s3], [sflag:s2] =	dma.local @!p0 [hbm:s0], s1  }
0x86: {  	s0 =	simm.s32 @!p0 $0x3  }
0x87: {  	_ =	swait.ge @!p0 [sflag:s0], s1  }
0x88: {  	s1 =	ssub.s32 @!p0 $0x0, s1;
	[sflag:s0] =	ssyncset.done @!p0 $0x0  }
0x89: {  	[sflag:s0] =	ssyncadd.s32 @!p0 s1  }
0x8a: {  	[bflag:$0x3] =	sbarrier.arrive $0xFFFF  }
0x8b: {  	_ =	shalt  }

// kernel: kernel.15.cloned.1.call-start
scs
__scs_entry_jumppad:
0x0: {  	(pc) =	sbr.rel $0x88, $3  }
0x1: {  	(tag) =	ssettag $0x0;
	lr =	simm.s32 $0x1  }
0x2: {  	[smem:$0x3F9D] =	sst lr;
	_ =	strace $0xD0000000  }
0x3: {  	_ = 	snop  }
0x4: {  	_ = 	snop  }
0x5: {  	_ = 	snop  }
0x6: {  	_ = 	snop  }
0x7: {  	_ = 	snop  }
__scs_overlays_trampoline_lowered:
0x8: {  	[smem:$0x3FAC] =	sst s0  }
0x9: {  	[smem:$0x3FAD] =	sst s1  }
0xa: {  	[smem:$0x3FAE] =	sst s2  }
0xb: {  	[smem:$0x3FAF] =	sst s3  }
0xc: {  	[smem:$0x3FB0] =	sst s4  }
0xd: {  	[smem:$0x3FB1] =	sst s5  }
0xe: {  	[smem:$0x3FB2] =	sst s6  }
0xf: {  	[smem:$0x3FB3] =	sst s7  }
0x10: {  	[smem:$0x3FB4] =	sst s8  }
0x11: {  	[smem:$0x3FB5] =	sst s9;
	s0 =	simm.s32 @!p0 $0x0  }
0x12: {  	s1 =	sld [smem:$0x3F9B];
	s0 =	simm.s32 @p0 $0x1  }
0x13: {  	[smem:$0x3FB6] =	sst s0;
	s0 =	simm.s32 @!p1 $0x0  }
0x14: {  	s2 =	sld [smem:$0x3F9A];
	s0 =	simm.s32 @p1 $0x1  }
0x15: {  	[smem:$0x3FB7] =	sst s0;
	s0 =	simm.s32 @!p2 $0x0  }
0x16: {  	s3 =	sld [smem:$0x3FDB];
	s0 =	simm.s32 @p2 $0x1  }
0x17: {  	s4 =	simm.s32 $0x1BF5;
	[smem:$0x3FB9] =	sst s0  }
0x18: {  	s0 =	sld [smem:$0x3F9C];
	_ =	swait.ge [sflag:s4], $0x0  }
0x19: {  	s7 =	sld [smem:$0x3F9D]  }
0x1a: {  	s8 =	sadd.s32 $0xFFFFE003, lr  }
0x1b: {  	s9 =	sadd.s32 $0xFFFFFEF7, lr;
	s5 =	simm.s32 $0xFFFFFFFF;
	p2 =	slt.u32 s8, $0xFFFFF086  }
0x1c: {  	p1 =	slt.u32 s9, $0xF7A;
	s5 =	simm.s32 @!p2 $0x0  }
0x1d: {  	s5 =	simm.s32 @p1 $0x1;
	p0 =	seq.s32 s7, s2  }
0x1e: {  	s7 =	smul.u32 @!p0 $0xF7A, s2;
	p2 =	seq.s32 @!p0 s5, $0x0  }
0x1f: {  	s9 =	smul.u32 $0xF7A, s1;
	s8 =	simm.s32 @!p0 $0x1BF5;
	p2 =	por !p2, p0  }
0x20: {  	[sflag:s8] =	ssyncset.s32 @!p0 $0xFFFFF086;
	s6 =	sadd.s32 @!p0 s3, s7;
	s7 =	simm.s32 @!p0 $0x108  }
0x21: {  	s3 =	sadd.s32 s3, s9;
	s6 =	sadd.s32 @!p0 $0x88, s6;
	s7 =	simm.s32 @p2 $0x1082  }
0x22: {  	[simem:s7], [sflag:s8] =	dma.local @!p0 [hbm:s6], $0xF7A  }
0x23: {  	s9 =	sor.u32 $0xD0000000, s2;
	s6 =	simm.s32 $0x108;
	_ =	swait.ge @!p0 [sflag:s8], $0x0  }
0x24: {  	s3 =	sadd.s32 $0x88, s3;
	s6 =	simm.s32 @!p1 $0x1082;
	[sflag:s4] =	ssyncset.s32 $0xFFFFF086  }
0x25: {  	[simem:s6], [sflag:s4] =	dma.local [hbm:s3], $0xF7A  }
0x26: {  	[smem:$0x3F9D] =	sst s1;
	(tag) =	ssettag s2;
	_ =	strace s9  }
0x27: {  	s1 =	sld [smem:$0x3FAD]  }
0x28: {  	s2 =	sld [smem:$0x3FAE]  }
0x29: {  	s4 =	sld [smem:$0x3FB0]  }
0x2a: {  	p0 =	seq.s32 s5, $0x0;
	s5 =	sld [smem:$0x3FB1]  }
0x2b: {  	s6 =	sld [smem:$0x3FB2]  }
0x2c: {  	s7 =	sld [smem:$0x3FB3]  }
0x2d: {  	s3 =	simm.s32 $0x108;
	s8 =	sld [smem:$0x3FB4]  }
0x2e: {  	s3 =	simm.s32 @!p0 $0x1082;
	s9 =	sld [smem:$0x3FB5]  }
0x2f: {  	lr =	sadd.s32 s0, s3;
	s0 =	sld [smem:$0x3FAC]  }
0x30: {  	s3 =	sld [smem:$0x3FAF]  }
0x31: {  	[smem:$0x3FB8] =	sst s10  }
0x32: {  	s10 =	sld [smem:$0x3FB6];
	_ =	sdelay $0x3  }
0x33: {  	p0 =	seq.s32 s10, $0x1;
	s10 =	sld [smem:$0x3FB8];
	_ =	sdelay $0x3  }
0x34: {  	[smem:$0x3FB8] =	sst s10  }
0x35: {  	s10 =	sld [smem:$0x3FB7];
	_ =	sdelay $0x3  }
0x36: {  	p1 =	seq.s32 s10, $0x1;
	s10 =	sld [smem:$0x3FB8];
	_ =	sdelay $0x3  }
0x37: {  	[smem:$0x3FB8] =	sst s10  }
0x38: {  	s10 =	sld [smem:$0x3FB9]  }
0x39: {  	_ = 	snop;
	(pc) =	sbr.ind lr, $3  }
0x3a: {  	_ = 	snop  }
0x3b: {  	_ = 	snop  }
0x3c: {  	p2 =	seq.s32 s10, $0x1;
	s10 =	sld [smem:$0x3FB8]  }
0x3d: {  	_ =	shalt  }
0x3e: {  	_ =	shalt  }
0x3f: {  	_ =	shalt  }
0x40: {  	_ =	shalt  }
0x41: {  	_ =	shalt  }
0x42: {  	_ =	shalt  }
0x43: {  	_ =	shalt  }
0x44: {  	_ =	shalt  }
0x45: {  	_ =	shalt  }
0x46: {  	_ =	shalt  }
0x47: {  	_ =	shalt  }
0x48: {  	_ =	shalt  }
0x49: {  	_ =	shalt  }
0x4a: {  	_ =	shalt  }
0x4b: {  	_ =	shalt  }
0x4c: {  	_ =	shalt  }
0x4d: {  	_ =	shalt  }
0x4e: {  	_ =	shalt  }
0x4f: {  	_ =	shalt  }
0x50: {  	_ =	shalt  }
0x51: {  	_ =	shalt  }
0x52: {  	_ =	shalt  }
0x53: {  	_ =	shalt  }
0x54: {  	_ =	shalt  }
0x55: {  	_ =	shalt  }
0x56: {  	_ =	shalt  }
0x57: {  	_ =	shalt  }
0x58: {  	_ =	shalt  }
0x59: {  	_ =	shalt  }
0x5a: {  	_ =	shalt  }
0x5b: {  	_ =	shalt  }
0x5c: {  	_ =	shalt  }
0x5d: {  	_ =	shalt  }
0x5e: {  	_ =	shalt  }
0x5f: {  	_ =	shalt  }
0x60: {  	_ =	shalt  }
0x61: {  	_ =	shalt  }
0x62: {  	_ =	shalt  }
0x63: {  	_ =	shalt  }
0x64: {  	_ =	shalt  }
0x65: {  	_ =	shalt  }
0x66: {  	_ =	shalt  }
0x67: {  	_ =	shalt  }
0x68: {  	_ =	shalt  }
0x69: {  	_ =	shalt  }
0x6a: {  	_ =	shalt  }
0x6b: {  	_ =	shalt  }
0x6c: {  	_ =	shalt  }
0x6d: {  	_ =	shalt  }
0x6e: {  	_ =	shalt  }
0x6f: {  	_ =	shalt  }
0x70: {  	_ =	shalt  }
0x71: {  	_ =	shalt  }
0x72: {  	_ =	shalt  }
0x73: {  	_ =	shalt  }
0x74: {  	_ =	shalt  }
0x75: {  	_ =	shalt  }
0x76: {  	_ =	shalt  }
0x77: {  	_ =	shalt  }
0x78: {  	_ =	shalt  }
0x79: {  	_ =	shalt  }
0x7a: {  	_ =	shalt  }
0x7b: {  	_ =	shalt  }
0x7c: {  	_ =	shalt  }
0x7d: {  	_ =	shalt  }
0x7e: {  	_ =	shalt  }
0x7f: {  	_ =	shalt  }
0x80: {  	_ =	shalt  }
0x81: {  	_ =	shalt  }
0x82: {  	_ =	shalt  }
0x83: {  	_ =	shalt  }
0x84: {  	_ =	shalt  }
0x85: {  	_ =	shalt  }
0x86: {  	_ =	shalt  }
0x87: {  	_ =	shalt  }
.Lfunc_end0:
.L_simem_size_0:
called_computation.2_lowered:
.L_overlay_start_0:
0x88: {  	s2 =	sld [smem:$0x3FD9]  }
0x89: {  	s3 =	sld [smem:$0x3FFE];
	_ =	sdelay $0x1  }
0x8a: {  	s1 =	srdreg.scid  }
0x8b: {  	s0 =	sand.u32 $0x1, s1  }
0x8c: {  	s17 =	sshll.u32 s0, $0xA;
	s2 =	sadd.s32 s3, s2  }
0x8d: {  	s2 =	sadd.s32 s2, s17  }
0x8e: {  	[smem:$0x3FC4] =	sst s2  }
0x8f: {  	_ = 	snop  }
0x90: {  	s2 =	sld [smem:$0x3FD0];
	(tm) =	ssettm $0x1  }
0x91: {  	s18 =	sld [smem:$0x3FFB];
	_ =	sdelay $0x3  }
0x92: {  	_ =	strace s18  }
0x93: {  	s3 =	sld [smem:$0x3FFC];
	_ =	sdelay $0x3  }
0x94: {  	_ =	strace s3  }
0x95: {  	s3 =	sld [smem:$0x3FFD];
	_ =	sdelay $0x3  }
0x96: {  	_ =	strace s3  }
0x97: {  	_ =	strace $0x8FFFFFFF  }
0x98: {  	s19 =	sld [smem:$0x3FDB];
	_ =	sdelay $0x1  }
0x99: {  	s4 =	simm.s32 $_scs_section_size  }
0x9a: {  	s5 =	simm.s32 $_size__tile_overlayer_lowered;
	s6 =	simm.s32 $_tile_overlayer_lowered  }
0x9b: {  	s22 =	simm.s32 $0x1BFF;
	s21 =	sshll.u32 s6, $0x1;
	s3 =	sadd.s32 s4, s19  }
0x9c: {  	s7 =	simm.s32 $0x0;
	s20 =	sshll.u32 s5, $0x1;
	s5 =	sadd.s32 s21, s3  }
0x9d: {  	[timem:s7], [sflag:s22] =	dma.local [hbm:s5], s20  }
0x9e: {  	_ =	swait.ge [sflag:s22], s20  }
0x9f: {  	s4 =	ssub.s32 $0x0, s20;
	[sflag:s22] =	ssyncset.done $0x0  }
0xa0: {  	[sflag:s22] =	ssyncadd.s32 s4;
	_ =	sdelay $0x1  }
0xa1: {  	s23 =	simm.s32 $0x1B8B  }
0xa2: {  	_ =	swait.ge [sflag:s23], $0x1  }
0xa3: {  	[sflag:s23] =	ssyncset.done $0x0  }
0xa4: {  	s25 =	simm.s32 $0x1B8E;
	s24 =	sld [smem:$0x3FFE];
	[sflag:s23] =	ssyncadd.s32 $0xFFFFFFFF  }
0xa5: {  	s26 =	simm.s32 $execute0_lowered;
	[smem:$0x3FD2] =	sst s25  }
0xa6: {  	s5 =	sshll.u32 s26, $0x1;
	_ =	strace $0x8000004C;
	[dreg:$0x1] =	wrdreg $0xFFFFFFFF  }
0xa7: {  	s28 =	simm.s32 $_size_execute0_lowered;
	s3 =	sadd.s32 s3, s5;
	[dreg:$0x0] =	wrdreg $0x0  }
0xa8: {  	s5 =	sshll.u32 s28, $0x1;
	[dreg:$0x2] =	wrdreg s3  }
0xa9: {  	[dreg:$0x3] =	wrdreg s5  }
0xaa: {  	[dreg:$0x4] =	wrdreg $0xC0  }
0xab: {  	_ =	task [dreg:s7], $0x5FFFF  }
0xac: {  	[dreg:$0x1] =	wrdreg $0xFFFFFFFF  }
0xad: {  	[dreg:$0x0] =	wrdreg $0x60  }
0xae: {  	[dreg:$0x2] =	wrdreg s2  }
0xaf: {  	[dreg:$0x3] =	wrdreg s24  }
0xb0: {  	[dreg:$0x4] =	wrdreg $0xBF000  }
0xb1: {  	[dreg:$0x5] =	wrdreg $0x9  }
0xb2: {  	_ =	task.clear_ibuf [dreg:s7], $0x6FFFF;
	_ =	strace $0x9000004C  }
0xb3: {  	s29 =	simm.s32 $0x9;
	_ =	strace $0x8000004E  }
0xb4: {  	_ =	swait.ge [sflag:s29], $0x1  }
0xb5: {  	[sflag:s29] =	ssyncadd.s32 $0xFFFFFFFF  }
0xb6: {  	_ =	strace $0x9000004E  }
0xb7: {  	_ =	sfence  }
0xb8: {  	s30 =	sld [smem:$0x0];
	_ =	sdelay $0x2  }
0xb9: {  	s31 =	sshll.u32 s1, $0xD;
	s1 =	sshrl.u32 s1, $0x2  }
0xba: {  	s3 =	sand.u32 $0x4000, s31;
	s1 =	sadd.s32 s1, s30  }
0xbb: {  	s0 =	sor.u32 s3, s0;
	s1 =	sshll.u32 s1, $0x11  }
0xbc: {  	s0 =	sor.u32 s1, s0  }
0xbd: {  	s0 =	sadd.s32 $0x8F2B, s0  }
0xbe: {  	[sflag:s0] =	ssyncadd.remote.s32 $0x1  }
0xbf: {  	_ =	sfence.sel $0xFFFF  }
0xc0: {  	[dreg:$0x0] =	wrdreg $0xFFFFFFFF;
	(pc) =	sbr.abs _section_cstart, $3  }
0xc1: {  	[dreg:$0x1] =	wrdreg $0xFFFFFFFF  }
0xc2: {  	_ =	task.clear_ibuf [dreg:s7], $0x2FFFF;
	_ =	strace $0x9FFFFFFF  }
0xc3: {  	(tm) =	ssettm $0x7FFFFFFF  }
tec
execute0_lowered:
.L_overlay_start_1:
0x0: {  	(tag) =	ssettag $0x1  }
0x1: {  	s2 =	rddreg [dreg:$0x0]  }
0x2: {  	s5 =	rddreg [dreg:$0x1]  }
0x3: {  	s3 =	rddreg [dreg:$0x2]  }
0x4: {  	s0 =	rddreg [dreg:$0x3]  }
0x5: {  	s1 =	stileid.u32;
	s7 =	srdreg.scid  }
0x6: {  	s4 =	simm.s32 $0x0;
	s14 =	simm.s32 $0x4F00;
	s15 =	simm.s32 $0x1  }
0x7: {  	s16 =	simm.s32 $0x70;
	s17 =	simm.s32 $0x2;
	s6 =	smul.u32 $0x4E2, s1  }
0x8: {  	s18 =	simm.s32 $0x20;
	s20 =	simm.s32 $0x4E70;
	s8 =	smul.u32 $0x13C00, s1  }
0x9: {  	s21 =	simm.s32 $0x0;
	s7 =	sand.u32 $0x1, s7;
	s12 =	smul.u32 $0x4F000, s1  }
0xa: {  	[smem:$0x7FF] =	sst s4;
	s31 =	sshll.u32 s1, $0x6;
	s9 =	smul.u32 $0x13C000, s7  }
0xb: {  	_ =	strace $0x8000004D;
	s29 =	ssub.s32 $0x2, s7;
	s19 =	smul.u32 $0x2710, s7  }
0xc: {  	s6 =	sadd.s32 s6, s5;
	s10 =	sshrl.u32 s8, $0x3;
	s11 =	sshrl.u32 s29, $0x1  }
0xd: {  	s30 =	sshrl.u32 s12, $0x2;
	s12 =	sor.u32 $0x1C03, s31;
	s8 =	sadd.s32 s8, s9  }
.Ltmp0:
0xe: {  	s10 =	sadd.s32 s10, s5;
	s9 =	ssub.s32 s29, s11;
	(pc) =	sbr.rel .LBB2_1-.Ltmp0, $4  }
0xf: {  	s13 =	sadd.s32 s30, s3;
	s11 =	simm.s32 $0x2780;
	v0 =	vmov s19;
	s19 =	simm.s32 $0x26F0  }
0x10: {  	s8 =	sshrl.u32 s8, $0x3;
	s7 =	sadd.s32 $0x1E00, s10;
	s9 =	smax.u32 s9, $0x1  }
0x11: {  	s10 =	simm.s32 $0x3;
	s8 =	sadd.s32 s8, s5;
	s5 =	sadd.s32 $0x11AE00, s6  }
0x12: {  	s13 =	sshrl.u32 s13, $0x3;
	s6 =	sadd.s32 $0x115E00, s6;
	s8 =	sadd.s32 $0x29600, s8  }
.LBB2_6:
0x13: {  	_ =	swait.ge [sflag:s17], $0x3800  }
0x14: {  	[sflag:s17] =	ssyncset.done $0x0  }
0x15: {  	[sflag:s17] =	ssyncadd.s32 $0xFFFFC800  }
0x16: {  	[tilespmem:s14], [sflag:$0x3] =	stream.indirect.gather [hbm4b:s2+s18], $0x80, s19, s18, $0xb8;
	[tilespmem:$0x1FB00] =	vst v63  }
0x17: {  	_ =	swait.ge [sflag:s10], $0x1000  }
0x18: {  	[sflag:s10] =	ssyncset.done $0x0  }
0x19: {  	[sflag:s10] =	ssyncadd.s32 $0xFFFFF000  }
0x1a: {  	[spmem:s3] =	stream.indirect.scatter.add.f32 [tilespmem:s14], [sflag:$0x3], $0x80, s20, s18, $0xb8;
	[tilespmem:$0x1FB00] =	vst v63  }
0x1b: {  	_ =	swait.ge [sflag:s10], $0x1000  }
0x1c: {  	[sflag:s10] =	ssyncset.done $0x0  }
0x1d: {  	s21 =	sadd.s32 $0x1, s21;
	[sflag:s10] =	ssyncadd.s32 $0xFFFFF000  }
0x1e: {  	p0 =	sne.s32 s21, s9;
	[bflag:$0x0] =	sbarrier.arrive $0xFFFF  }
0x1f: {  	[hbm:s8], [sflag:s12] =	dma.local [spmem:s13], $0x2780  }
.Ltmp1:
0x20: {  	_ =	swait.ge [sflag:s10], $0x2780;
	(pc) =	sbr.rel @!p0 .LBB2_7-.Ltmp1, $3  }
0x21: {  	[sflag:s10] =	ssyncset.done $0x0  }
0x22: {  	[sflag:s10] =	ssyncadd.s32 $0xFFFFD880  }
0x23: {  	[bflag:$0x0] =	sbarrier.arrive $0xFFFF;
	_ =	sdelay $0x1  }
.LBB2_1:
0x24: {  	[tilespmem:s4], [sflag:$0x3] =	stream.linear.gather [hbm4b:s5+s4], $0x2710, $0x38;
	[tilespmem:$0x1FB00] =	vst v63  }
0x25: {  	_ =	swait.ge [sflag:s10], $0x2710  }
0x26: {  	[sflag:s10] =	ssyncset.done $0x0  }
0x27: {  	[sflag:s10] =	ssyncadd.s32 $0xFFFFD8F0  }
0x28: {  	[tilespmem:s11], [sflag:$0x3] =	stream.linear.gather [hbm4b:s6+s4], $0x2710, $0x38;
	[tilespmem:$0x1FB00] =	vst v63  }
0x29: {  	_ =	swait.ge [sflag:s10], $0x2710  }
0x2a: {  	[sflag:s10] =	ssyncset.done $0x0  }
0x2b: {  	s22 =	simm.s32 $0x0;
	s23 =	simm.s32 $0x40;
	[sflag:s10] =	ssyncadd.s32 $0xFFFFD8F0  }
.LBB2_2:
0x2c: {  	p0 =	sne.s32 s23, $0x9C00;
	v1 =	vld [tilespmem:s22+$0x0];
	_ =	sdelay $0x1  }
.Ltmp2:
0x2d: {  	(pc) =	sbr.rel @p0 .LBB2_2-.Ltmp2, $3  }
0x2e: {  	_ =	sdelay $0x1  }
0x2f: {  	v1 =	vadd.s32 v0, v1  }
0x30: {  	[tilespmem:s22+$0x0] =	vst v1;
	s22 =	sshra.s32 s23, $0x2;
	s23 =	sadd.s32 $0x40, s23  }
0x31: {  	v1 =	vld [tilespmem:s22+$0x0];
	_ =	sdelay $0x4  }
0x32: {  	v1 =	vadd.s32 v0, v1  }
0x33: {  	[tilespmem:s22+$0x0] =	vst v1  }
0x34: {  	[spmem:s13], [sflag:s12] =	dma.local [hbm:s7], $0x2780  }
0x35: {  	_ =	swait.ge [sflag:s10], $0x2780  }
0x36: {  	[sflag:s10] =	ssyncset.done $0x0  }
0x37: {  	s23 =	simm.s32 $0x0;
	[sflag:s10] =	ssyncadd.s32 $0xFFFFD880  }
0x38: {  	s24 =	simm.s32 $0x2780;
	s22 =	simm.s32 $0x70;
	[bflag:$0x0] =	sbarrier.arrive $0xFFFF  }
0x39: {  	[tilespmem:s14], [sflag:$0x1] =	stream.indirect.gather [hbm4b:s2+s22], $0x80, s23, s22, $0xb8;
	[tilespmem:$0x1FB00] =	vst v63  }
.LBB2_4:
0x3a: {  	s25 =	sand.u32 $0x1, s23  }
0x3b: {  	s26 =	smul.u32 $0xE000, s25  }
0x3c: {  	_ =	swait.ge [sflag:s15], $0x3800;
	p0 =	seq.s32 s23, $0x0  }
0x3d: {  	[sflag:s15] =	ssyncset.done $0x0;
	p1 =	seq.s32 @!p0 s23, $0x58;
	s26 =	sshrl.u32 s26, $0x2  }
0x3e: {  	[sflag:s15] =	ssyncadd.s32 $0xFFFFC800;
	p1 =	por p0, !p1;
	s26 =	sadd.s32 $0x4F00, s26  }
0x3f: {  	[spmem:s3] =	stream.indirect.scatter.add.f32 [tilespmem:s26], [sflag:$0x2], $0x80, s24, s16, $0xb8;
	[tilespmem:$0x1FB00] =	vst v63  }
.Ltmp3:
0x40: {  	_ = 	snop;
	(pc) =	sbr.rel @!p1 .LBB2_6-.Ltmp3, $4  }
0x41: {  	s26 =	simm.s32 @!p0 $0x2  }
0x42: {  	_ =	swait.ge @!p0 [sflag:s26], $0x3800  }
0x43: {  	[sflag:s26] =	ssyncset.done @!p0 $0x0  }
0x44: {  	[sflag:s26] =	ssyncadd.s32 @!p0 $0xFFFFC800  }
0x45: {  	s25 =	sxor.u32 $0x1, s25  }
0x46: {  	s25 =	smul.u32 $0xE000, s25  }
.Ltmp4:
0x47: {  	_ = 	snop;
	(pc) =	sbr.rel .LBB2_4-.Ltmp4, $4  }
0x48: {  	s25 =	sshrl.u32 s25, $0x2  }
0x49: {  	s25 =	sadd.s32 $0x4F00, s25  }
0x4a: {  	[tilespmem:s25], [sflag:$0x1] =	stream.indirect.gather [hbm4b:s2+s16], $0x80, s22, s16, $0xb8;
	[tilespmem:$0x1FB00] =	vst v63  }
0x4b: {  	s23 =	sadd.s32 $0x1, s23;
	s24 =	sadd.s32 $0x70, s24;
	s22 =	sadd.s32 $0x70, s22  }
.LBB2_7:
0x4c: {  	_ =	sfence.sel $0x180000  }
0x4d: {  	[bflag:$0x0] =	sbarrier.arrive $0xFFFF  }
0x4e: {  	p0 =	sne.s32 s1, $0x0;
	_ =	strace $0x9000004D  }
0x4f: {  	s0 =	sadd.s32 @!p0 $0x100000, s0;
	[bflag:$0x2] =	sbarrier.arrive $0xFFFF  }
0x50: {  	[sflag:s0] =	ssyncadd.tile.s32 @!p0 $0x1;
	_ =	shalt  }
.Lfunc_end2:
_tile_overlayer_lowered:
.L_overlay_start_2:
0x51: {  	(tag) =	ssettag $0x2  }
0x52: {  	s0 =	rddreg [dreg:$0x0];
	s2 =	stileid.u32  }
0x53: {  	s1 =	rddreg [dreg:$0x1];
	p0 =	sne.s32 s2, $0x0  }
0x54: {  	s3 =	rddreg [dreg:$0x2];
	[bflag:$0x3] =	sbarrier.arrive $0xFFFF;
	s2 =	simm.s32 @!p0 $0x1C03  }
0x55: {  	[timem:s3], [sflag:s2] =	dma.local @!p0 [hbm:s0], s1  }
0x56: {  	s0 =	simm.s32 @!p0 $0x3  }
0x57: {  	_ =	swait.ge @!p0 [sflag:s0], s1  }
0x58: {  	s1 =	ssub.s32 @!p0 $0x0, s1;
	[sflag:s0] =	ssyncset.done @!p0 $0x0  }
0x59: {  	[sflag:s0] =	ssyncadd.s32 @!p0 s1  }
0x5a: {  	[bflag:$0x3] =	sbarrier.arrive $0xFFFF  }
0x5b: {  	_ =	shalt  }

// kernel: kernel.9.cloned.1.call-start
scs
__scs_entry_jumppad:
0x0: {  	(pc) =	sbr.rel $0x88, $3  }
0x1: {  	(tag) =	ssettag $0x0;
	lr =	simm.s32 $0x1  }
0x2: {  	[smem:$0x3F9D] =	sst lr;
	_ =	strace $0xD0000000  }
0x3: {  	_ = 	snop  }
0x4: {  	_ = 	snop  }
0x5: {  	_ = 	snop  }
0x6: {  	_ = 	snop  }
0x7: {  	_ = 	snop  }
__scs_overlays_trampoline_lowered:
0x8: {  	[smem:$0x3FAC] =	sst s0  }
0x9: {  	[smem:$0x3FAD] =	sst s1  }
0xa: {  	[smem:$0x3FAE] =	sst s2  }
0xb: {  	[smem:$0x3FAF] =	sst s3  }
0xc: {  	[smem:$0x3FB0] =	sst s4  }
0xd: {  	[smem:$0x3FB1] =	sst s5  }
0xe: {  	[smem:$0x3FB2] =	sst s6  }
0xf: {  	[smem:$0x3FB3] =	sst s7  }
0x10: {  	[smem:$0x3FB4] =	sst s8  }
0x11: {  	[smem:$0x3FB5] =	sst s9;
	s0 =	simm.s32 @!p0 $0x0  }
0x12: {  	s1 =	sld [smem:$0x3F9B];
	s0 =	simm.s32 @p0 $0x1  }
0x13: {  	[smem:$0x3FB6] =	sst s0;
	s0 =	simm.s32 @!p1 $0x0  }
0x14: {  	s2 =	sld [smem:$0x3F9A];
	s0 =	simm.s32 @p1 $0x1  }
0x15: {  	[smem:$0x3FB7] =	sst s0;
	s0 =	simm.s32 @!p2 $0x0  }
0x16: {  	s3 =	sld [smem:$0x3FDB];
	s0 =	simm.s32 @p2 $0x1  }
0x17: {  	s4 =	simm.s32 $0x1BF5;
	[smem:$0x3FB9] =	sst s0  }
0x18: {  	s0 =	sld [smem:$0x3F9C];
	_ =	swait.ge [sflag:s4], $0x0  }
0x19: {  	s7 =	sld [smem:$0x3F9D]  }
0x1a: {  	s8 =	sadd.s32 $0xFFFFE003, lr  }
0x1b: {  	s9 =	sadd.s32 $0xFFFFFEF7, lr;
	s5 =	simm.s32 $0xFFFFFFFF;
	p2 =	slt.u32 s8, $0xFFFFF086  }
0x1c: {  	p1 =	slt.u32 s9, $0xF7A;
	s5 =	simm.s32 @!p2 $0x0  }
0x1d: {  	s5 =	simm.s32 @p1 $0x1;
	p0 =	seq.s32 s7, s2  }
0x1e: {  	s7 =	smul.u32 @!p0 $0xF7A, s2;
	p2 =	seq.s32 @!p0 s5, $0x0  }
0x1f: {  	s9 =	smul.u32 $0xF7A, s1;
	s8 =	simm.s32 @!p0 $0x1BF5;
	p2 =	por !p2, p0  }
0x20: {  	[sflag:s8] =	ssyncset.s32 @!p0 $0xFFFFF086;
	s6 =	sadd.s32 @!p0 s3, s7;
	s7 =	simm.s32 @!p0 $0x108  }
0x21: {  	s3 =	sadd.s32 s3, s9;
	s6 =	sadd.s32 @!p0 $0x88, s6;
	s7 =	simm.s32 @p2 $0x1082  }
0x22: {  	[simem:s7], [sflag:s8] =	dma.local @!p0 [hbm:s6], $0xF7A  }
0x23: {  	s9 =	sor.u32 $0xD0000000, s2;
	s6 =	simm.s32 $0x108;
	_ =	swait.ge @!p0 [sflag:s8], $0x0  }
0x24: {  	s3 =	sadd.s32 $0x88, s3;
	s6 =	simm.s32 @!p1 $0x1082;
	[sflag:s4] =	ssyncset.s32 $0xFFFFF086  }
0x25: {  	[simem:s6], [sflag:s4] =	dma.local [hbm:s3], $0xF7A  }
0x26: {  	[smem:$0x3F9D] =	sst s1;
	(tag) =	ssettag s2;
	_ =	strace s9  }
0x27: {  	s1 =	sld [smem:$0x3FAD]  }
0x28: {  	s2 =	sld [smem:$0x3FAE]  }
0x29: {  	s4 =	sld [smem:$0x3FB0]  }
0x2a: {  	p0 =	seq.s32 s5, $0x0;
	s5 =	sld [smem:$0x3FB1]  }
0x2b: {  	s6 =	sld [smem:$0x3FB2]  }
0x2c: {  	s7 =	sld [smem:$0x3FB3]  }
0x2d: {  	s3 =	simm.s32 $0x108;
	s8 =	sld [smem:$0x3FB4]  }
0x2e: {  	s3 =	simm.s32 @!p0 $0x1082;
	s9 =	sld [smem:$0x3FB5]  }
0x2f: {  	lr =	sadd.s32 s0, s3;
	s0 =	sld [smem:$0x3FAC]  }
0x30: {  	s3 =	sld [smem:$0x3FAF]  }
0x31: {  	[smem:$0x3FB8] =	sst s10  }
0x32: {  	s10 =	sld [smem:$0x3FB6];
	_ =	sdelay $0x3  }
0x33: {  	p0 =	seq.s32 s10, $0x1;
	s10 =	sld [smem:$0x3FB8];
	_ =	sdelay $0x3  }
0x34: {  	[smem:$0x3FB8] =	sst s10  }
0x35: {  	s10 =	sld [smem:$0x3FB7];
	_ =	sdelay $0x3  }
0x36: {  	p1 =	seq.s32 s10, $0x1;
	s10 =	sld [smem:$0x3FB8];
	_ =	sdelay $0x3  }
0x37: {  	[smem:$0x3FB8] =	sst s10  }
0x38: {  	s10 =	sld [smem:$0x3FB9]  }
0x39: {  	_ = 	snop;
	(pc) =	sbr.ind lr, $3  }
0x3a: {  	_ = 	snop  }
0x3b: {  	_ = 	snop  }
0x3c: {  	p2 =	seq.s32 s10, $0x1;
	s10 =	sld [smem:$0x3FB8]  }
0x3d: {  	_ =	shalt  }
0x3e: {  	_ =	shalt  }
0x3f: {  	_ =	shalt  }
0x40: {  	_ =	shalt  }
0x41: {  	_ =	shalt  }
0x42: {  	_ =	shalt  }
0x43: {  	_ =	shalt  }
0x44: {  	_ =	shalt  }
0x45: {  	_ =	shalt  }
0x46: {  	_ =	shalt  }
0x47: {  	_ =	shalt  }
0x48: {  	_ =	shalt  }
0x49: {  	_ =	shalt  }
0x4a: {  	_ =	shalt  }
0x4b: {  	_ =	shalt  }
0x4c: {  	_ =	shalt  }
0x4d: {  	_ =	shalt  }
0x4e: {  	_ =	shalt  }
0x4f: {  	_ =	shalt  }
0x50: {  	_ =	shalt  }
0x51: {  	_ =	shalt  }
0x52: {  	_ =	shalt  }
0x53: {  	_ =	shalt  }
0x54: {  	_ =	shalt  }
0x55: {  	_ =	shalt  }
0x56: {  	_ =	shalt  }
0x57: {  	_ =	shalt  }
0x58: {  	_ =	shalt  }
0x59: {  	_ =	shalt  }
0x5a: {  	_ =	shalt  }
0x5b: {  	_ =	shalt  }
0x5c: {  	_ =	shalt  }
0x5d: {  	_ =	shalt  }
0x5e: {  	_ =	shalt  }
0x5f: {  	_ =	shalt  }
0x60: {  	_ =	shalt  }
0x61: {  	_ =	shalt  }
0x62: {  	_ =	shalt  }
0x63: {  	_ =	shalt  }
0x64: {  	_ =	shalt  }
0x65: {  	_ =	shalt  }
0x66: {  	_ =	shalt  }
0x67: {  	_ =	shalt  }
0x68: {  	_ =	shalt  }
0x69: {  	_ =	shalt  }
0x6a: {  	_ =	shalt  }
0x6b: {  	_ =	shalt  }
0x6c: {  	_ =	shalt  }
0x6d: {  	_ =	shalt  }
0x6e: {  	_ =	shalt  }
0x6f: {  	_ =	shalt  }
0x70: {  	_ =	shalt  }
0x71: {  	_ =	shalt  }
0x72: {  	_ =	shalt  }
0x73: {  	_ =	shalt  }
0x74: {  	_ =	shalt  }
0x75: {  	_ =	shalt  }
0x76: {  	_ =	shalt  }
0x77: {  	_ =	shalt  }
0x78: {  	_ =	shalt  }
0x79: {  	_ =	shalt  }
0x7a: {  	_ =	shalt  }
0x7b: {  	_ =	shalt  }
0x7c: {  	_ =	shalt  }
0x7d: {  	_ =	shalt  }
0x7e: {  	_ =	shalt  }
0x7f: {  	_ =	shalt  }
0x80: {  	_ =	shalt  }
0x81: {  	_ =	shalt  }
0x82: {  	_ =	shalt  }
0x83: {  	_ =	shalt  }
0x84: {  	_ =	shalt  }
0x85: {  	_ =	shalt  }
0x86: {  	_ =	shalt  }
0x87: {  	_ =	shalt  }
.Lfunc_end0:
.L_simem_size_0:
called_computation_lowered:
.L_overlay_start_0:
0x88: {  	s2 =	sld [smem:$0x3FD9]  }
0x89: {  	s3 =	sld [smem:$0x3FFE];
	_ =	sdelay $0x1  }
0x8a: {  	s1 =	srdreg.scid  }
0x8b: {  	s0 =	sand.u32 $0x1, s1  }
0x8c: {  	s17 =	sshll.u32 s0, $0xA;
	s2 =	sadd.s32 s3, s2  }
0x8d: {  	s2 =	sadd.s32 s2, s17  }
0x8e: {  	[smem:$0x3FC4] =	sst s2  }
0x8f: {  	_ = 	snop  }
0x90: {  	s2 =	sld [smem:$0x3FD0];
	(tm) =	ssettm $0x1  }
0x91: {  	s18 =	sld [smem:$0x3FFB];
	_ =	sdelay $0x3  }
0x92: {  	_ =	strace s18  }
0x93: {  	s3 =	sld [smem:$0x3FFC];
	_ =	sdelay $0x3  }
0x94: {  	_ =	strace s3  }
0x95: {  	s3 =	sld [smem:$0x3FFD];
	_ =	sdelay $0x3  }
0x96: {  	_ =	strace s3  }
0x97: {  	_ =	strace $0x8FFFFFFF  }
0x98: {  	s19 =	sld [smem:$0x3FDB];
	_ =	sdelay $0x1  }
0x99: {  	s4 =	simm.s32 $_scs_section_size  }
0x9a: {  	s5 =	simm.s32 $_size__tile_overlayer_lowered;
	s6 =	simm.s32 $_tile_overlayer_lowered  }
0x9b: {  	s22 =	simm.s32 $0x1BFF;
	s21 =	sshll.u32 s6, $0x1;
	s3 =	sadd.s32 s4, s19  }
0x9c: {  	s7 =	simm.s32 $0x0;
	s20 =	sshll.u32 s5, $0x1;
	s5 =	sadd.s32 s21, s3  }
0x9d: {  	[timem:s7], [sflag:s22] =	dma.local [hbm:s5], s20  }
0x9e: {  	_ =	swait.ge [sflag:s22], s20  }
0x9f: {  	s4 =	ssub.s32 $0x0, s20;
	[sflag:s22] =	ssyncset.done $0x0  }
0xa0: {  	[sflag:s22] =	ssyncadd.s32 s4;
	_ =	sdelay $0x1  }
0xa1: {  	s23 =	simm.s32 $0x1B8B  }
0xa2: {  	_ =	swait.ge [sflag:s23], $0x1  }
0xa3: {  	[sflag:s23] =	ssyncset.done $0x0  }
0xa4: {  	s25 =	simm.s32 $0x1B8E;
	s24 =	sld [smem:$0x3FFE];
	[sflag:s23] =	ssyncadd.s32 $0xFFFFFFFF  }
0xa5: {  	s26 =	simm.s32 $execute0_lowered;
	[smem:$0x3FD2] =	sst s25  }
0xa6: {  	s5 =	sshll.u32 s26, $0x1;
	_ =	strace $0x80000046;
	[dreg:$0x1] =	wrdreg $0xFFFFFFFF  }
0xa7: {  	s28 =	simm.s32 $_size_execute0_lowered;
	s3 =	sadd.s32 s3, s5;
	[dreg:$0x0] =	wrdreg $0x0  }
0xa8: {  	s5 =	sshll.u32 s28, $0x1;
	[dreg:$0x2] =	wrdreg s3  }
0xa9: {  	[dreg:$0x3] =	wrdreg s5  }
0xaa: {  	[dreg:$0x4] =	wrdreg $0xC0  }
0xab: {  	_ =	task [dreg:s7], $0x5FFFF  }
0xac: {  	[dreg:$0x1] =	wrdreg $0xFFFFFFFF  }
0xad: {  	[dreg:$0x0] =	wrdreg $0x60  }
0xae: {  	[dreg:$0x2] =	wrdreg s2  }
0xaf: {  	[dreg:$0x3] =	wrdreg s24  }
0xb0: {  	[dreg:$0x4] =	wrdreg $0xC3800  }
0xb1: {  	[dreg:$0x5] =	wrdreg $0x9  }
0xb2: {  	_ =	task.clear_ibuf [dreg:s7], $0x6FFFF;
	_ =	strace $0x90000046  }
0xb3: {  	s29 =	simm.s32 $0x9;
	_ =	strace $0x80000048  }
0xb4: {  	_ =	swait.ge [sflag:s29], $0x1  }
0xb5: {  	[sflag:s29] =	ssyncadd.s32 $0xFFFFFFFF  }
0xb6: {  	_ =	strace $0x90000048  }
0xb7: {  	_ =	sfence  }
0xb8: {  	s30 =	sld [smem:$0x0];
	_ =	sdelay $0x2  }
0xb9: {  	s31 =	sshll.u32 s1, $0xD;
	s1 =	sshrl.u32 s1, $0x2  }
0xba: {  	s3 =	sand.u32 $0x4000, s31;
	s1 =	sadd.s32 s1, s30  }
0xbb: {  	s0 =	sor.u32 s3, s0;
	s1 =	sshll.u32 s1, $0x11  }
0xbc: {  	s0 =	sor.u32 s1, s0  }
0xbd: {  	s0 =	sadd.s32 $0x8F2B, s0  }
0xbe: {  	[sflag:s0] =	ssyncadd.remote.s32 $0x1  }
0xbf: {  	_ =	sfence.sel $0xFFFF  }
0xc0: {  	[dreg:$0x0] =	wrdreg $0xFFFFFFFF;
	(pc) =	sbr.abs _section_cstart, $3  }
0xc1: {  	[dreg:$0x1] =	wrdreg $0xFFFFFFFF  }
0xc2: {  	_ =	task.clear_ibuf [dreg:s7], $0x2FFFF;
	_ =	strace $0x9FFFFFFF  }
0xc3: {  	(tm) =	ssettm $0x7FFFFFFF  }
tec
execute0_lowered:
.L_overlay_start_1:
0x0: {  	(tag) =	ssettag $0x1  }
0x1: {  	s5 =	rddreg [dreg:$0x0]  }
0x2: {  	s6 =	rddreg [dreg:$0x1]  }
0x3: {  	s2 =	rddreg [dreg:$0x2]  }
0x4: {  	s0 =	rddreg [dreg:$0x3];
	s3 =	simm.s32 $0x0;
	s1 =	stileid.u32  }
0x5: {  	s4 =	srdreg.scid;
	s13 =	simm.s32 $0x138;
	s14 =	simm.s32 $0x10  }
0x6: {  	s15 =	simm.s32 $0x2700;
	s16 =	simm.s32 $0x1;
	s7 =	smul.u32 $0x13C00, s1  }
0x7: {  	s17 =	simm.s32 $0x0;
	[smem:$0x7FF] =	sst s3;
	s26 =	smul.u32 $0x2710, s1  }
0x8: {  	s8 =	sand.u32 $0x1, s4;
	s4 =	sadd.s32 $0x29600, s6;
	s12 =	smul.u32 $0x4F000, s1  }
0x9: {  	s31 =	sshll.u32 s1, $0x6;
	_ =	strace $0x80000047;
	s9 =	smul.u32 $0x13C000, s8  }
0xa: {  	s11 =	smul.u32 $0x27100, s8;
	s8 =	ssub.s32 $0x2, s8;
	s10 =	sshrl.u32 s7, $0x3  }
0xb: {  	s28 =	sshrl.u32 s8, $0x1;
	s30 =	sshrl.u32 s12, $0x2;
	s10 =	sadd.s32 s10, s6  }
0xc: {  	s7 =	sadd.s32 s7, s9;
	s9 =	sadd.s32 s26, s11;
	s8 =	ssub.s32 s8, s28  }
0xd: {  	s12 =	sadd.s32 s30, s2;
	s11 =	sor.u32 $0x1C02, s31;
	s7 =	sshrl.u32 s7, $0x3  }
0xe: {  	s29 =	sshrl.u32 s9, $0x3;
	s8 =	smax.u32 s8, $0x1;
	s9 =	simm.s32 $0x2  }
0xf: {  	s12 =	sshrl.u32 s12, $0x3;
	s7 =	sadd.s32 s7, s6;
	s5 =	sadd.s32 s5, s29  }
0x10: {  	s6 =	sadd.s32 $0x1E00, s10;
	s10 =	simm.s32 $0x2780;
	s7 =	sadd.s32 $0x2AA00, s7  }
.LBB2_1:
0x11: {  	[tilespmem:s3], [sflag:$0x2] =	stream.linear.gather [hbm4b:s5+s3], $0x2710, $0x38;
	[tilespmem:$0x1FF80] =	vst v63  }
0x12: {  	_ =	swait.ge [sflag:s9], $0x2710  }
0x13: {  	[sflag:s9] =	ssyncset.done $0x0  }
0x14: {  	[sflag:s9] =	ssyncadd.s32 $0xFFFFD8F0  }
0x15: {  	[tilespmem:s10], [sflag:$0x2] =	stream.linear.gather [hbm4b:s4+s3], $0x9C00, $0x38;
	[tilespmem:$0x1FF80] =	vst v63  }
0x16: {  	_ =	swait.ge [sflag:s9], $0x9C00  }
0x17: {  	[sflag:s9] =	ssyncset.done $0x0  }
0x18: {  	[sflag:s9] =	ssyncadd.s32 $0xFFFF6400  }
0x19: {  	[spmem:s12], [sflag:s11] =	dma.local [hbm:s6], $0x2780  }
0x1a: {  	_ =	swait.ge [sflag:s9], $0x2780  }
0x1b: {  	[sflag:s9] =	ssyncset.done $0x0  }
0x1c: {  	p0 =	por $0x1, $0x1;
	[sflag:s9] =	ssyncadd.s32 $0xFFFFD880  }
0x1d: {  	s20 =	simm.s32 @!p0 $0x1;
	[bflag:$0x0] =	sbarrier.arrive $0xFFFF  }
0x1e: {  	[spmem:s2] =	stream.indirect.scatter.add.f32 [tilespmem:s10], [sflag:$0x1], $0x80, s3, s13, $0xb8;
	[tilespmem:$0x1FF80] =	vst v63  }
0x1f: {  	_ =	swait.ge @!p0 [sflag:s20], $0x9C00  }
0x20: {  	s18 =	simm.s32 $0x1;
	s19 =	simm.s32 $0x0;
	[sflag:s20] =	ssyncset.done @!p0 $0x0  }
.LBB2_2:
0x21: {  	[sflag:s20] =	ssyncadd.s32 @!p0 $0xFFFF6400  }
0x22: {  	s19 =	sadd.s32 $0x138, s19;
	s20 =	smov.u32 s18;
	s18 =	sadd.s32 $0x1, s18  }
0x23: {  	p1 =	sne.s32 s18, $0x20  }
0x24: {  	[spmem:s2] =	stream.indirect.scatter.add.f32 [tilespmem:s10], [sflag:$0x1], $0x80, s19, s13, $0xb8;
	[tilespmem:$0x1FF80] =	vst v63  }
.Ltmp0:
0x25: {  	_ = 	snop;
	(pc) =	sbr.rel @p1 .LBB2_2-.Ltmp0, $4  }
0x26: {  	p0 =	slt.u32 s20, $0x8  }
0x27: {  	s20 =	simm.s32 @!p0 $0x1  }
0x28: {  	_ =	swait.ge @!p0 [sflag:s20], $0x9C00  }
0x29: {  	[sflag:s20] =	ssyncset.done @!p0 $0x0  }
0x2a: {  	[sflag:s20] =	ssyncadd.s32 @!p0 $0xFFFF6400  }
0x2b: {  	[spmem:s2] =	stream.indirect.scatter.add.f32 [tilespmem:s10], [sflag:$0x1], $0x80, s15, s14, $0xb8;
	[tilespmem:$0x1FF80] =	vst v63  }
0x2c: {  	_ =	swait.ge [sflag:s16], $0x9C00  }
0x2d: {  	[sflag:s16] =	ssyncset.done $0x0  }
0x2e: {  	[sflag:s16] =	ssyncadd.s32 $0xFFFF6400  }
0x2f: {  	_ =	swait.ge [sflag:s16], $0x9C00  }
0x30: {  	[sflag:s16] =	ssyncset.done $0x0  }
0x31: {  	[sflag:s16] =	ssyncadd.s32 $0xFFFF6400  }
0x32: {  	_ =	swait.ge [sflag:s16], $0x9C00  }
0x33: {  	[sflag:s16] =	ssyncset.done $0x0  }
0x34: {  	[sflag:s16] =	ssyncadd.s32 $0xFFFF6400  }
0x35: {  	_ =	swait.ge [sflag:s16], $0x9C00  }
0x36: {  	[sflag:s16] =	ssyncset.done $0x0  }
0x37: {  	[sflag:s16] =	ssyncadd.s32 $0xFFFF6400  }
0x38: {  	_ =	swait.ge [sflag:s16], $0x9C00  }
0x39: {  	[sflag:s16] =	ssyncset.done $0x0  }
0x3a: {  	[sflag:s16] =	ssyncadd.s32 $0xFFFF6400  }
0x3b: {  	_ =	swait.ge [sflag:s16], $0x9C00  }
0x3c: {  	[sflag:s16] =	ssyncset.done $0x0  }
0x3d: {  	[sflag:s16] =	ssyncadd.s32 $0xFFFF6400  }
0x3e: {  	_ =	swait.ge [sflag:s16], $0x9C00  }
0x3f: {  	[sflag:s16] =	ssyncset.done $0x0  }
0x40: {  	[sflag:s16] =	ssyncadd.s32 $0xFFFF6400  }
0x41: {  	_ =	swait.ge [sflag:s16], $0x9C00  }
0x42: {  	[sflag:s16] =	ssyncset.done $0x0  }
0x43: {  	[sflag:s16] =	ssyncadd.s32 $0xFFFF6400  }
0x44: {  	_ =	swait.ge [sflag:s16], $0x800  }
0x45: {  	s17 =	sadd.s32 $0x1, s17;
	[sflag:s16] =	ssyncset.done $0x0  }
0x46: {  	p0 =	sne.s32 s17, s8;
	[sflag:s16] =	ssyncadd.s32 $0xFFFFF800  }
.Ltmp1:
0x47: {  	[bflag:$0x0] =	sbarrier.arrive $0xFFFF;
	(pc) =	sbr.rel @p0 .LBB2_1-.Ltmp1, $4  }
0x48: {  	[hbm:s7], [sflag:s11] =	dma.local [spmem:s12], $0x2780  }
0x49: {  	_ =	swait.ge [sflag:s9], $0x2780  }
0x4a: {  	[sflag:s9] =	ssyncset.done $0x0  }
0x4b: {  	[sflag:s9] =	ssyncadd.s32 $0xFFFFD880  }
0x4c: {  	_ =	sfence.sel $0x180000  }
0x4d: {  	[bflag:$0x0] =	sbarrier.arrive $0xFFFF  }
0x4e: {  	p0 =	sne.s32 s1, $0x0;
	_ =	strace $0x90000047  }
0x4f: {  	s0 =	sadd.s32 @!p0 $0x100000, s0;
	[bflag:$0x2] =	sbarrier.arrive $0xFFFF  }
0x50: {  	[sflag:s0] =	ssyncadd.tile.s32 @!p0 $0x1;
	_ =	shalt  }
.Lfunc_end2:
_tile_overlayer_lowered:
.L_overlay_start_2:
0x51: {  	(tag) =	ssettag $0x2  }
0x52: {  	s0 =	rddreg [dreg:$0x0];
	s2 =	stileid.u32  }
0x53: {  	s1 =	rddreg [dreg:$0x1];
	p0 =	sne.s32 s2, $0x0  }
0x54: {  	s3 =	rddreg [dreg:$0x2];
	[bflag:$0x3] =	sbarrier.arrive $0xFFFF;
	s2 =	simm.s32 @!p0 $0x1C02  }
0x55: {  	[timem:s3], [sflag:s2] =	dma.local @!p0 [hbm:s0], s1  }
0x56: {  	s0 =	simm.s32 @!p0 $0x2  }
0x57: {  	_ =	swait.ge @!p0 [sflag:s0], s1  }
0x58: {  	s1 =	ssub.s32 @!p0 $0x0, s1;
	[sflag:s0] =	ssyncset.done @!p0 $0x0  }
0x59: {  	[sflag:s0] =	ssyncadd.s32 @!p0 s1  }
0x5a: {  	[bflag:$0x3] =	sbarrier.arrive $0xFFFF  }
0x5b: {  	_ =	shalt  }

</sc_bundles>
